<compile_context>
chip_gen: v7x
topology: tpu7x:2x2x1
jax: 0.10.2.dev20260603
libtpu: 0.0.44.dev20260713+nightly
codegen_flags: <defaults>
</compile_context>

<pallas_src>
import functools

import jax
import jax.numpy as jnp
from jax import lax
from jax.experimental import pallas as pl
from jax.experimental.pallas import tpu as pltpu
from jax.experimental.pallas import tpu_sc as plsc

_NC = 2
_NS = 16
_NW = _NC * _NS
_L = 16
_CH = 64


@jax.jit
def _gather_relu(table, idx):
    V, D = table.shape
    (B,) = idx.shape
    b_per_w = B // _NW
    nchunk = b_per_w // _CH

    mesh = plsc.VectorSubcoreMesh(core_axis_name="c", subcore_axis_name="s")

    @functools.partial(
        pl.kernel,
        mesh=mesh,
        out_type=jax.ShapeDtypeStruct((B, D), jnp.float32),
        scratch_types=[
            pltpu.VMEM((b_per_w,), jnp.int32),
            pltpu.VMEM((b_per_w, D), jnp.float32),
            pltpu.SemaphoreType.DMA((nchunk,)),
            pltpu.SemaphoreType.DMA,
        ],
    )
    def k(table_hbm, idx_hbm, out_hbm, idx_v, rows_v, gsem, ssem):
        wid = lax.axis_index("s") * _NC + lax.axis_index("c")
        base = wid * b_per_w
        pltpu.sync_copy(idx_hbm.at[pl.ds(base, b_per_w)], idx_v)

        gathers = [
            pltpu.async_copy(
                table_hbm.at[idx_v.at[pl.ds(c * _CH, _CH)]],
                rows_v.at[pl.ds(c * _CH, _CH)],
                gsem.at[c],
            )
            for c in range(nchunk)
        ]
        for c in range(nchunk):
            gathers[c].wait()

            @plsc.parallel_loop(c * _CH, (c + 1) * _CH)
            def relu_rows(r):
                for j in range(D // _L):
                    x = rows_v[r, pl.ds(j * _L, _L)]
                    rows_v[r, pl.ds(j * _L, _L)] = jnp.maximum(x, 0.0)

            pltpu.async_copy(
                rows_v.at[pl.ds(c * _CH, _CH)],
                out_hbm.at[pl.ds(base + c * _CH, _CH)],
                ssem,
            )
        pltpu.make_async_copy(rows_v, out_hbm.at[pl.ds(base, b_per_w)], ssem).wait()

    return k(table, idx)


def kernel(assignments, edge_index, node_idx):
    del edge_index
    return _gather_relu(assignments, node_idx.astype(jnp.int32))

# --- scband reference (transcript-rebuilt; emitter-appended) ---
"""Pipeline reference for scband-big-clam-17403207483914 (READ-ONLY COPY).

The authoritative reference and input builder live on the scoring server;
editing this copy changes nothing except your own understanding.
"""

import jax, jax.numpy as jnp
import numpy as np

N_NODES = 10000
N_EDGES = 160000
NUM_COMMUNITIES = 128
N_IDX = 8192


def setup_inputs(seed: int = 0) -> dict:
    key = jax.random.key(seed)
    k1, k2, k3 = jax.random.split(key, 3)
    # Constructor tensor: undirected edge index (values < N_NODES)
    edge_index = jax.random.randint(k1, (2, N_EDGES), 0, N_NODES)
    # Learned parameter: soft community assignments, shape (num_nodes, num_communities).
    # The original seeds it with binary memberships from a conductance heuristic; we
    # materialize a nonnegative random table of the same shape/dtype.
    assignments = jax.random.uniform(k2, (N_NODES, NUM_COMMUNITIES), dtype=jnp.float32)
    # forward arg: node indices to query
    node_idx = jax.random.randint(k3, (N_IDX,), 0, N_NODES)
    return {"assignments": assignments, "edge_index": edge_index, "node_idx": node_idx}


def reference(assignments, edge_index, node_idx):
    # BigClam.forward(node_idx, normalize=False):
    #   F = relu(assignments); return F if node_idx is None else F[node_idx]
    # edge_index is only used at construction / fit time, not in forward.
    F = jax.nn.relu(assignments)
    out = jnp.take(F, node_idx, axis=0)
    return out

if __name__ == "__main__":
    import jax
    _d = setup_inputs()
    print(jax.jit(kernel)(*tuple(_d.values())))

</pallas_src>

<mosaic_0001>
#map = affine_map<(d0, d1) -> (0, 0)>
#map1 = affine_map<(d0, d1) -> (0)>
module attributes {stable_mosaic.version = 14 : i64} {
  func.func @k(%arg0: i32, %arg1: i32, %arg2: memref<10000x128xf32, #tpu.memory_space<hbm>>, %arg3: memref<8192xi32, #tpu.memory_space<hbm>>, %arg4: memref<8192x128xf32, #tpu.memory_space<hbm>>, %arg5: memref<256xi32, #tpu.memory_space<vmem>>, %arg6: memref<256x128xf32, #tpu.memory_space<vmem>>, %arg7: memref<4x!tpu.dma_semaphore, #tpu.memory_space<semaphore_mem>>, %arg8: memref<!tpu.dma_semaphore, #tpu.memory_space<semaphore_mem>>) attributes {dimension_semantics = [#tpu.dimension_semantics<core_parallel>, #tpu.dimension_semantics<subcore_parallel>], iteration_bounds = array<i64: 2, 16>, scalar_prefetch = 0 : i64, scratch_operands = 4 : i64, tpu.core_type = #tpu.core_type<sc_vector_subcore>, window_params = [{transform_indices = #map}, {transform_indices = #map1}, {transform_indices = #map}]} {
    %mul3A = arith.constant 2 : i32
    %mul3A_0 = arith.muli %arg1, %mul3A : i32
    %add3A = arith.addi %mul3A_0, %arg0 : i32
    %mul3A_1 = arith.constant 256 : i32
    %mul3A_2 = arith.muli %add3A, %mul3A_1 : i32
    "tpu.region"() ({
      %run_scoped3A = tpu.sem_alloc : memref<!tpu.dma_semaphore, #tpu.memory_space<semaphore_mem>>
      %dma_start3A_152 = tpu.memref_slice %arg3[%mul3A_2] : memref<8192xi32, #tpu.memory_space<hbm>> -> memref<256xi32, #tpu.memory_space<hbm>>
      %dma_start3A_153 = tpu.memref_slice %arg3[%mul3A_2] : memref<8192xi32, #tpu.memory_space<hbm>> -> memref<256xi32, #tpu.memory_space<hbm>>
      tpu.enqueue_dma source(%dma_start3A_153 : memref<256xi32, #tpu.memory_space<hbm>>) target(%arg5 : memref<256xi32, #tpu.memory_space<vmem>>) target_semaphore(%run_scoped3A : memref<!tpu.dma_semaphore, #tpu.memory_space<semaphore_mem>>)
      %dma_wait3A_154 = tpu.memref_slice %arg3[%mul3A_2] : memref<8192xi32, #tpu.memory_space<hbm>> -> memref<256xi32, #tpu.memory_space<hbm>>
      %dma_wait3A_155 = tpu.memref_slice %arg3[%mul3A_2] : memref<8192xi32, #tpu.memory_space<hbm>> -> memref<256xi32, #tpu.memory_space<hbm>>
      tpu.wait_dma2 semaphore(%run_scoped3A : memref<!tpu.dma_semaphore, #tpu.memory_space<semaphore_mem>>) src(%dma_wait3A_155 : memref<256xi32, #tpu.memory_space<hbm>>) dst(%arg5 : memref<256xi32, #tpu.memory_space<vmem>>)
      tpu.yield
    }) : () -> ()
    %dma_start3A = arith.constant 0 : i32
    %dma_start3A_3 = arith.constant 0 : i32
    %dma_start3A_4 = arith.constant 0 : i32
    %dma_start3A_5 = tpu.memref_slice %arg6[%dma_start3A_3, %dma_start3A_4] : memref<256x128xf32, #tpu.memory_space<vmem>> -> memref<64x128xf32, #tpu.memory_space<vmem>>
    %dma_start3A_6 = arith.constant 0 : i32
    %dma_start3A_7 = tpu.memref_slice %arg5[%dma_start3A_6] : memref<256xi32, #tpu.memory_space<vmem>> -> memref<64xi32, #tpu.memory_space<vmem>>
    %dma_start3A_8 = arith.constant 0 : i32
    %dma_start3A_9 = arith.constant 0 : i32
    %dma_start3A_10 = tpu.memref_slice %arg2[%dma_start3A_8, %dma_start3A_9] : memref<10000x128xf32, #tpu.memory_space<hbm>> -> memref<10000x128xf32, #tpu.memory_space<hbm>>
    %dma_start3A_11 = tpu.memref_slice %arg7[%dma_start3A] : memref<4x!tpu.dma_semaphore, #tpu.memory_space<semaphore_mem>> -> memref<1x!tpu.dma_semaphore, #tpu.memory_space<semaphore_mem>>
    %dma_start3A_12 = tpu.memref_squeeze %dma_start3A_11 : memref<1x!tpu.dma_semaphore, #tpu.memory_space<semaphore_mem>> -> memref<!tpu.dma_semaphore, #tpu.memory_space<semaphore_mem>>
    tpu.enqueue_indirect_dma source(%dma_start3A_10 : memref<10000x128xf32, #tpu.memory_space<hbm>>) target(%dma_start3A_5 : memref<64x128xf32, #tpu.memory_space<vmem>>) offsets(%dma_start3A_7 : memref<64xi32, #tpu.memory_space<vmem>>) semaphore(%dma_start3A_12 : memref<!tpu.dma_semaphore, #tpu.memory_space<semaphore_mem>>)
    %dma_start3A_13 = arith.constant 1 : i32
    %dma_start3A_14 = arith.constant 64 : i32
    %dma_start3A_15 = arith.constant 0 : i32
    %dma_start3A_16 = tpu.memref_slice %arg6[%dma_start3A_14, %dma_start3A_15] : memref<256x128xf32, #tpu.memory_space<vmem>> -> memref<64x128xf32, #tpu.memory_space<vmem>>
    %dma_start3A_17 = arith.constant 64 : i32
    %dma_start3A_18 = tpu.memref_slice %arg5[%dma_start3A_17] : memref<256xi32, #tpu.memory_space<vmem>> -> memref<64xi32, #tpu.memory_space<vmem>>
    %dma_start3A_19 = arith.constant 0 : i32
    %dma_start3A_20 = arith.constant 0 : i32
    %dma_start3A_21 = tpu.memref_slice %arg2[%dma_start3A_19, %dma_start3A_20] : memref<10000x128xf32, #tpu.memory_space<hbm>> -> memref<10000x128xf32, #tpu.memory_space<hbm>>
    %dma_start3A_22 = tpu.memref_slice %arg7[%dma_start3A_13] : memref<4x!tpu.dma_semaphore, #tpu.memory_space<semaphore_mem>> -> memref<1x!tpu.dma_semaphore, #tpu.memory_space<semaphore_mem>>
    %dma_start3A_23 = tpu.memref_squeeze %dma_start3A_22 : memref<1x!tpu.dma_semaphore, #tpu.memory_space<semaphore_mem>> -> memref<!tpu.dma_semaphore, #tpu.memory_space<semaphore_mem>>
    tpu.enqueue_indirect_dma source(%dma_start3A_21 : memref<10000x128xf32, #tpu.memory_space<hbm>>) target(%dma_start3A_16 : memref<64x128xf32, #tpu.memory_space<vmem>>) offsets(%dma_start3A_18 : memref<64xi32, #tpu.memory_space<vmem>>) semaphore(%dma_start3A_23 : memref<!tpu.dma_semaphore, #tpu.memory_space<semaphore_mem>>)
    %dma_start3A_24 = arith.constant 2 : i32
    %dma_start3A_25 = arith.constant 128 : i32
    %dma_start3A_26 = arith.constant 0 : i32
    %dma_start3A_27 = tpu.memref_slice %arg6[%dma_start3A_25, %dma_start3A_26] : memref<256x128xf32, #tpu.memory_space<vmem>> -> memref<64x128xf32, #tpu.memory_space<vmem>>
    %dma_start3A_28 = arith.constant 128 : i32
    %dma_start3A_29 = tpu.memref_slice %arg5[%dma_start3A_28] : memref<256xi32, #tpu.memory_space<vmem>> -> memref<64xi32, #tpu.memory_space<vmem>>
    %dma_start3A_30 = arith.constant 0 : i32
    %dma_start3A_31 = arith.constant 0 : i32
    %dma_start3A_32 = tpu.memref_slice %arg2[%dma_start3A_30, %dma_start3A_31] : memref<10000x128xf32, #tpu.memory_space<hbm>> -> memref<10000x128xf32, #tpu.memory_space<hbm>>
    %dma_start3A_33 = tpu.memref_slice %arg7[%dma_start3A_24] : memref<4x!tpu.dma_semaphore, #tpu.memory_space<semaphore_mem>> -> memref<1x!tpu.dma_semaphore, #tpu.memory_space<semaphore_mem>>
    %dma_start3A_34 = tpu.memref_squeeze %dma_start3A_33 : memref<1x!tpu.dma_semaphore, #tpu.memory_space<semaphore_mem>> -> memref<!tpu.dma_semaphore, #tpu.memory_space<semaphore_mem>>
    tpu.enqueue_indirect_dma source(%dma_start3A_32 : memref<10000x128xf32, #tpu.memory_space<hbm>>) target(%dma_start3A_27 : memref<64x128xf32, #tpu.memory_space<vmem>>) offsets(%dma_start3A_29 : memref<64xi32, #tpu.memory_space<vmem>>) semaphore(%dma_start3A_34 : memref<!tpu.dma_semaphore, #tpu.memory_space<semaphore_mem>>)
    %dma_start3A_35 = arith.constant 3 : i32
    %dma_start3A_36 = arith.constant 192 : i32
    %dma_start3A_37 = arith.constant 0 : i32
    %dma_start3A_38 = tpu.memref_slice %arg6[%dma_start3A_36, %dma_start3A_37] : memref<256x128xf32, #tpu.memory_space<vmem>> -> memref<64x128xf32, #tpu.memory_space<vmem>>
    %dma_start3A_39 = arith.constant 192 : i32
    %dma_start3A_40 = tpu.memref_slice %arg5[%dma_start3A_39] : memref<256xi32, #tpu.memory_space<vmem>> -> memref<64xi32, #tpu.memory_space<vmem>>
    %dma_start3A_41 = arith.constant 0 : i32
    %dma_start3A_42 = arith.constant 0 : i32
    %dma_start3A_43 = tpu.memref_slice %arg2[%dma_start3A_41, %dma_start3A_42] : memref<10000x128xf32, #tpu.memory_space<hbm>> -> memref<10000x128xf32, #tpu.memory_space<hbm>>
    %dma_start3A_44 = tpu.memref_slice %arg7[%dma_start3A_35] : memref<4x!tpu.dma_semaphore, #tpu.memory_space<semaphore_mem>> -> memref<1x!tpu.dma_semaphore, #tpu.memory_space<semaphore_mem>>
    %dma_start3A_45 = tpu.memref_squeeze %dma_start3A_44 : memref<1x!tpu.dma_semaphore, #tpu.memory_space<semaphore_mem>> -> memref<!tpu.dma_semaphore, #tpu.memory_space<semaphore_mem>>
    tpu.enqueue_indirect_dma source(%dma_start3A_43 : memref<10000x128xf32, #tpu.memory_space<hbm>>) target(%dma_start3A_38 : memref<64x128xf32, #tpu.memory_space<vmem>>) offsets(%dma_start3A_40 : memref<64xi32, #tpu.memory_space<vmem>>) semaphore(%dma_start3A_45 : memref<!tpu.dma_semaphore, #tpu.memory_space<semaphore_mem>>)
    %dma_wait3A = arith.constant 0 : i32
    %dma_wait3A_46 = arith.constant 0 : i32
    %dma_wait3A_47 = arith.constant 0 : i32
    %dma_wait3A_48 = tpu.memref_slice %arg6[%dma_wait3A_46, %dma_wait3A_47] : memref<256x128xf32, #tpu.memory_space<vmem>> -> memref<64x128xf32, #tpu.memory_space<vmem>>
    %dma_wait3A_49 = arith.constant 0 : i32
    %dma_wait3A_50 = tpu.memref_slice %arg5[%dma_wait3A_49] : memref<256xi32, #tpu.memory_space<vmem>> -> memref<64xi32, #tpu.memory_space<vmem>>
    %dma_wait3A_51 = arith.constant 0 : i32
    %dma_wait3A_52 = arith.constant 0 : i32
    %dma_wait3A_53 = tpu.memref_slice %arg2[%dma_wait3A_51, %dma_wait3A_52] : memref<10000x128xf32, #tpu.memory_space<hbm>> -> memref<10000x128xf32, #tpu.memory_space<hbm>>
    %dma_wait3A_54 = tpu.memref_slice %arg7[%dma_wait3A] : memref<4x!tpu.dma_semaphore, #tpu.memory_space<semaphore_mem>> -> memref<1x!tpu.dma_semaphore, #tpu.memory_space<semaphore_mem>>
    %dma_wait3A_55 = tpu.memref_squeeze %dma_wait3A_54 : memref<1x!tpu.dma_semaphore, #tpu.memory_space<semaphore_mem>> -> memref<!tpu.dma_semaphore, #tpu.memory_space<semaphore_mem>>
    tpu.wait_indirect_dma semaphore(%dma_wait3A_55 : memref<!tpu.dma_semaphore, #tpu.memory_space<semaphore_mem>>) src(%dma_wait3A_53 : memref<10000x128xf32, #tpu.memory_space<hbm>>) dst(%dma_wait3A_48 : memref<64x128xf32, #tpu.memory_space<vmem>>)
    %parallel_loop3A = arith.constant 0 : i32
    %parallel_loop3A_56 = arith.constant 64 : i32
    %parallel_loop3A_57 = arith.constant 1 : i32
    scf.for %parallel_loop3A_152 = %parallel_loop3A to %parallel_loop3A_56 step %parallel_loop3A_57  : i32 {
      %parallel_loop3A_153 = arith.index_cast %parallel_loop3A_152 : i32 to index
      %parallel_loop3A_154 = arith.constant 0 : index
      %parallel_loop3A_155 = tpu.vector_load %arg6[%parallel_loop3A_153, %parallel_loop3A_154] {strides = array<i32>} : memref<256x128xf32, #tpu.memory_space<vmem>>, vector<1x16xf32>,
      %parallel_loop3A_156 = vector.shape_cast %parallel_loop3A_155 : vector<1x16xf32> to vector<16xf32>
      %parallel_loop3A_157 = arith.constant 0.000000e+00 : f32
      %parallel_loop3A_158 = vector.broadcast %parallel_loop3A_157 : f32 to vector<16xf32>
      %parallel_loop3A_159 = arith.maximumf %parallel_loop3A_156, %parallel_loop3A_158 : vector<16xf32>
      %parallel_loop3A_160 = arith.index_cast %parallel_loop3A_152 : i32 to index
      %parallel_loop3A_161 = arith.constant 0 : index
      %parallel_loop3A_162 = tpu.vector_load %arg6[%parallel_loop3A_160, %parallel_loop3A_161] {strides = array<i32>} : memref<256x128xf32, #tpu.memory_space<vmem>>, vector<1x16xf32>,
      %parallel_loop3A_163 = vector.shape_cast %parallel_loop3A_162 : vector<1x16xf32> to vector<16xf32>
      %parallel_loop3A_164 = vector.shape_cast %parallel_loop3A_159 : vector<16xf32> to vector<1x16xf32>
      tpu.vector_store %arg6[%parallel_loop3A_160, %parallel_loop3A_161], %parallel_loop3A_164 {strides = array<i32>} : memref<256x128xf32, #tpu.memory_space<vmem>>, vector<1x16xf32>,
      %parallel_loop3A_165 = arith.index_cast %parallel_loop3A_152 : i32 to index
      %parallel_loop3A_166 = arith.constant 16 : index
      %parallel_loop3A_167 = tpu.vector_load %arg6[%parallel_loop3A_165, %parallel_loop3A_166] {strides = array<i32>} : memref<256x128xf32, #tpu.memory_space<vmem>>, vector<1x16xf32>,
      %parallel_loop3A_168 = vector.shape_cast %parallel_loop3A_167 : vector<1x16xf32> to vector<16xf32>
      %parallel_loop3A_169 = arith.constant 0.000000e+00 : f32
      %parallel_loop3A_170 = vector.broadcast %parallel_loop3A_169 : f32 to vector<16xf32>
      %parallel_loop3A_171 = arith.maximumf %parallel_loop3A_168, %parallel_loop3A_170 : vector<16xf32>
      %parallel_loop3A_172 = arith.index_cast %parallel_loop3A_152 : i32 to index
      %parallel_loop3A_173 = arith.constant 16 : index
      %parallel_loop3A_174 = tpu.vector_load %arg6[%parallel_loop3A_172, %parallel_loop3A_173] {strides = array<i32>} : memref<256x128xf32, #tpu.memory_space<vmem>>, vector<1x16xf32>,
      %parallel_loop3A_175 = vector.shape_cast %parallel_loop3A_174 : vector<1x16xf32> to vector<16xf32>
      %parallel_loop3A_176 = vector.shape_cast %parallel_loop3A_171 : vector<16xf32> to vector<1x16xf32>
      tpu.vector_store %arg6[%parallel_loop3A_172, %parallel_loop3A_173], %parallel_loop3A_176 {strides = array<i32>} : memref<256x128xf32, #tpu.memory_space<vmem>>, vector<1x16xf32>,
      %parallel_loop3A_177 = arith.index_cast %parallel_loop3A_152 : i32 to index
      %parallel_loop3A_178 = arith.constant 32 : index
      %parallel_loop3A_179 = tpu.vector_load %arg6[%parallel_loop3A_177, %parallel_loop3A_178] {strides = array<i32>} : memref<256x128xf32, #tpu.memory_space<vmem>>, vector<1x16xf32>,
      %parallel_loop3A_180 = vector.shape_cast %parallel_loop3A_179 : vector<1x16xf32> to vector<16xf32>
      %parallel_loop3A_181 = arith.constant 0.000000e+00 : f32
      %parallel_loop3A_182 = vector.broadcast %parallel_loop3A_181 : f32 to vector<16xf32>
      %parallel_loop3A_183 = arith.maximumf %parallel_loop3A_180, %parallel_loop3A_182 : vector<16xf32>
      %parallel_loop3A_184 = arith.index_cast %parallel_loop3A_152 : i32 to index
      %parallel_loop3A_185 = arith.constant 32 : index
      %parallel_loop3A_186 = tpu.vector_load %arg6[%parallel_loop3A_184, %parallel_loop3A_185] {strides = array<i32>} : memref<256x128xf32, #tpu.memory_space<vmem>>, vector<1x16xf32>,
      %parallel_loop3A_187 = vector.shape_cast %parallel_loop3A_186 : vector<1x16xf32> to vector<16xf32>
      %parallel_loop3A_188 = vector.shape_cast %parallel_loop3A_183 : vector<16xf32> to vector<1x16xf32>
      tpu.vector_store %arg6[%parallel_loop3A_184, %parallel_loop3A_185], %parallel_loop3A_188 {strides = array<i32>} : memref<256x128xf32, #tpu.memory_space<vmem>>, vector<1x16xf32>,
      %parallel_loop3A_189 = arith.index_cast %parallel_loop3A_152 : i32 to index
      %parallel_loop3A_190 = arith.constant 48 : index
      %parallel_loop3A_191 = tpu.vector_load %arg6[%parallel_loop3A_189, %parallel_loop3A_190] {strides = array<i32>} : memref<256x128xf32, #tpu.memory_space<vmem>>, vector<1x16xf32>,
      %parallel_loop3A_192 = vector.shape_cast %parallel_loop3A_191 : vector<1x16xf32> to vector<16xf32>
      %parallel_loop3A_193 = arith.constant 0.000000e+00 : f32
      %parallel_loop3A_194 = vector.broadcast %parallel_loop3A_193 : f32 to vector<16xf32>
      %parallel_loop3A_195 = arith.maximumf %parallel_loop3A_192, %parallel_loop3A_194 : vector<16xf32>
      %parallel_loop3A_196 = arith.index_cast %parallel_loop3A_152 : i32 to index
      %parallel_loop3A_197 = arith.constant 48 : index
      %parallel_loop3A_198 = tpu.vector_load %arg6[%parallel_loop3A_196, %parallel_loop3A_197] {strides = array<i32>} : memref<256x128xf32, #tpu.memory_space<vmem>>, vector<1x16xf32>,
      %parallel_loop3A_199 = vector.shape_cast %parallel_loop3A_198 : vector<1x16xf32> to vector<16xf32>
      %parallel_loop3A_200 = vector.shape_cast %parallel_loop3A_195 : vector<16xf32> to vector<1x16xf32>
      tpu.vector_store %arg6[%parallel_loop3A_196, %parallel_loop3A_197], %parallel_loop3A_200 {strides = array<i32>} : memref<256x128xf32, #tpu.memory_space<vmem>>, vector<1x16xf32>,
      %parallel_loop3A_201 = arith.index_cast %parallel_loop3A_152 : i32 to index
      %parallel_loop3A_202 = arith.constant 64 : index
      %parallel_loop3A_203 = tpu.vector_load %arg6[%parallel_loop3A_201, %parallel_loop3A_202] {strides = array<i32>} : memref<256x128xf32, #tpu.memory_space<vmem>>, vector<1x16xf32>,
      %parallel_loop3A_204 = vector.shape_cast %parallel_loop3A_203 : vector<1x16xf32> to vector<16xf32>
      %parallel_loop3A_205 = arith.constant 0.000000e+00 : f32
      %parallel_loop3A_206 = vector.broadcast %parallel_loop3A_205 : f32 to vector<16xf32>
      %parallel_loop3A_207 = arith.maximumf %parallel_loop3A_204, %parallel_loop3A_206 : vector<16xf32>
      %parallel_loop3A_208 = arith.index_cast %parallel_loop3A_152 : i32 to index
      %parallel_loop3A_209 = arith.constant 64 : index
      %parallel_loop3A_210 = tpu.vector_load %arg6[%parallel_loop3A_208, %parallel_loop3A_209] {strides = array<i32>} : memref<256x128xf32, #tpu.memory_space<vmem>>, vector<1x16xf32>,
      %parallel_loop3A_211 = vector.shape_cast %parallel_loop3A_210 : vector<1x16xf32> to vector<16xf32>
      %parallel_loop3A_212 = vector.shape_cast %parallel_loop3A_207 : vector<16xf32> to vector<1x16xf32>
      tpu.vector_store %arg6[%parallel_loop3A_208, %parallel_loop3A_209], %parallel_loop3A_212 {strides = array<i32>} : memref<256x128xf32, #tpu.memory_space<vmem>>, vector<1x16xf32>,
      %parallel_loop3A_213 = arith.index_cast %parallel_loop3A_152 : i32 to index
      %parallel_loop3A_214 = arith.constant 80 : index
      %parallel_loop3A_215 = tpu.vector_load %arg6[%parallel_loop3A_213, %parallel_loop3A_214] {strides = array<i32>} : memref<256x128xf32, #tpu.memory_space<vmem>>, vector<1x16xf32>,
      %parallel_loop3A_216 = vector.shape_cast %parallel_loop3A_215 : vector<1x16xf32> to vector<16xf32>
      %parallel_loop3A_217 = arith.constant 0.000000e+00 : f32
      %parallel_loop3A_218 = vector.broadcast %parallel_loop3A_217 : f32 to vector<16xf32>
      %parallel_loop3A_219 = arith.maximumf %parallel_loop3A_216, %parallel_loop3A_218 : vector<16xf32>
      %parallel_loop3A_220 = arith.index_cast %parallel_loop3A_152 : i32 to index
      %parallel_loop3A_221 = arith.constant 80 : index
      %parallel_loop3A_222 = tpu.vector_load %arg6[%parallel_loop3A_220, %parallel_loop3A_221] {strides = array<i32>} : memref<256x128xf32, #tpu.memory_space<vmem>>, vector<1x16xf32>,
      %parallel_loop3A_223 = vector.shape_cast %parallel_loop3A_222 : vector<1x16xf32> to vector<16xf32>
      %parallel_loop3A_224 = vector.shape_cast %parallel_loop3A_219 : vector<16xf32> to vector<1x16xf32>
      tpu.vector_store %arg6[%parallel_loop3A_220, %parallel_loop3A_221], %parallel_loop3A_224 {strides = array<i32>} : memref<256x128xf32, #tpu.memory_space<vmem>>, vector<1x16xf32>,
      %parallel_loop3A_225 = arith.index_cast %parallel_loop3A_152 : i32 to index
      %parallel_loop3A_226 = arith.constant 96 : index
      %parallel_loop3A_227 = tpu.vector_load %arg6[%parallel_loop3A_225, %parallel_loop3A_226] {strides = array<i32>} : memref<256x128xf32, #tpu.memory_space<vmem>>, vector<1x16xf32>,
      %parallel_loop3A_228 = vector.shape_cast %parallel_loop3A_227 : vector<1x16xf32> to vector<16xf32>
      %parallel_loop3A_229 = arith.constant 0.000000e+00 : f32
      %parallel_loop3A_230 = vector.broadcast %parallel_loop3A_229 : f32 to vector<16xf32>
      %parallel_loop3A_231 = arith.maximumf %parallel_loop3A_228, %parallel_loop3A_230 : vector<16xf32>
      %parallel_loop3A_232 = arith.index_cast %parallel_loop3A_152 : i32 to index
      %parallel_loop3A_233 = arith.constant 96 : index
      %parallel_loop3A_234 = tpu.vector_load %arg6[%parallel_loop3A_232, %parallel_loop3A_233] {strides = array<i32>} : memref<256x128xf32, #tpu.memory_space<vmem>>, vector<1x16xf32>,
      %parallel_loop3A_235 = vector.shape_cast %parallel_loop3A_234 : vector<1x16xf32> to vector<16xf32>
      %parallel_loop3A_236 = vector.shape_cast %parallel_loop3A_231 : vector<16xf32> to vector<1x16xf32>
      tpu.vector_store %arg6[%parallel_loop3A_232, %parallel_loop3A_233], %parallel_loop3A_236 {strides = array<i32>} : memref<256x128xf32, #tpu.memory_space<vmem>>, vector<1x16xf32>,
      %parallel_loop3A_237 = arith.index_cast %parallel_loop3A_152 : i32 to index
      %parallel_loop3A_238 = arith.constant 112 : index
      %parallel_loop3A_239 = tpu.vector_load %arg6[%parallel_loop3A_237, %parallel_loop3A_238] {strides = array<i32>} : memref<256x128xf32, #tpu.memory_space<vmem>>, vector<1x16xf32>,
      %parallel_loop3A_240 = vector.shape_cast %parallel_loop3A_239 : vector<1x16xf32> to vector<16xf32>
      %parallel_loop3A_241 = arith.constant 0.000000e+00 : f32
      %parallel_loop3A_242 = vector.broadcast %parallel_loop3A_241 : f32 to vector<16xf32>
      %parallel_loop3A_243 = arith.maximumf %parallel_loop3A_240, %parallel_loop3A_242 : vector<16xf32>
      %parallel_loop3A_244 = arith.index_cast %parallel_loop3A_152 : i32 to index
      %parallel_loop3A_245 = arith.constant 112 : index
      %parallel_loop3A_246 = tpu.vector_load %arg6[%parallel_loop3A_244, %parallel_loop3A_245] {strides = array<i32>} : memref<256x128xf32, #tpu.memory_space<vmem>>, vector<1x16xf32>,
      %parallel_loop3A_247 = vector.shape_cast %parallel_loop3A_246 : vector<1x16xf32> to vector<16xf32>
      %parallel_loop3A_248 = vector.shape_cast %parallel_loop3A_243 : vector<16xf32> to vector<1x16xf32>
      tpu.vector_store %arg6[%parallel_loop3A_244, %parallel_loop3A_245], %parallel_loop3A_248 {strides = array<i32>} : memref<256x128xf32, #tpu.memory_space<vmem>>, vector<1x16xf32>,
    } {sc.loop_unroll_factor = 1 : i64, sc.parallel_access}
    %add3A_58 = arith.constant 0 : i32
    %add3A_59 = arith.addi %mul3A_2, %add3A_58 : i32
    %dma_start3A_60 = arith.constant 0 : i32
    %dma_start3A_61 = arith.constant 0 : i32
    %dma_start3A_62 = tpu.memref_slice %arg6[%dma_start3A_60, %dma_start3A_61] : memref<256x128xf32, #tpu.memory_space<vmem>> -> memref<64x128xf32, #tpu.memory_space<vmem>>
    %dma_start3A_63 = arith.constant 0 : i32
    %dma_start3A_64 = tpu.memref_slice %arg4[%add3A_59, %dma_start3A_63] : memref<8192x128xf32, #tpu.memory_space<hbm>> -> memref<64x128xf32, #tpu.memory_space<hbm>>
    %dma_start3A_65 = arith.constant 0 : i32
    %dma_start3A_66 = tpu.memref_slice %arg4[%add3A_59, %dma_start3A_65] : memref<8192x128xf32, #tpu.memory_space<hbm>> -> memref<64x128xf32, #tpu.memory_space<hbm>>
    %dma_start3A_67 = arith.constant 0 : i32
    %dma_start3A_68 = arith.constant 0 : i32
    %dma_start3A_69 = tpu.memref_slice %arg6[%dma_start3A_67, %dma_start3A_68] : memref<256x128xf32, #tpu.memory_space<vmem>> -> memref<64x128xf32, #tpu.memory_space<vmem>>
    tpu.enqueue_dma source(%dma_start3A_69 : memref<64x128xf32, #tpu.memory_space<vmem>>) target(%dma_start3A_66 : memref<64x128xf32, #tpu.memory_space<hbm>>) target_semaphore(%arg8 : memref<!tpu.dma_semaphore, #tpu.memory_space<semaphore_mem>>)
    %dma_wait3A_70 = arith.constant 1 : i32
    %dma_wait3A_71 = arith.constant 64 : i32
    %dma_wait3A_72 = arith.constant 0 : i32
    %dma_wait3A_73 = tpu.memref_slice %arg6[%dma_wait3A_71, %dma_wait3A_72] : memref<256x128xf32, #tpu.memory_space<vmem>> -> memref<64x128xf32, #tpu.memory_space<vmem>>
    %dma_wait3A_74 = arith.constant 64 : i32
    %dma_wait3A_75 = tpu.memref_slice %arg5[%dma_wait3A_74] : memref<256xi32, #tpu.memory_space<vmem>> -> memref<64xi32, #tpu.memory_space<vmem>>
    %dma_wait3A_76 = arith.constant 0 : i32
    %dma_wait3A_77 = arith.constant 0 : i32
    %dma_wait3A_78 = tpu.memref_slice %arg2[%dma_wait3A_76, %dma_wait3A_77] : memref<10000x128xf32, #tpu.memory_space<hbm>> -> memref<10000x128xf32, #tpu.memory_space<hbm>>
    %dma_wait3A_79 = tpu.memref_slice %arg7[%dma_wait3A_70] : memref<4x!tpu.dma_semaphore, #tpu.memory_space<semaphore_mem>> -> memref<1x!tpu.dma_semaphore, #tpu.memory_space<semaphore_mem>>
    %dma_wait3A_80 = tpu.memref_squeeze %dma_wait3A_79 : memref<1x!tpu.dma_semaphore, #tpu.memory_space<semaphore_mem>> -> memref<!tpu.dma_semaphore, #tpu.memory_space<semaphore_mem>>
    tpu.wait_indirect_dma semaphore(%dma_wait3A_80 : memref<!tpu.dma_semaphore, #tpu.memory_space<semaphore_mem>>) src(%dma_wait3A_78 : memref<10000x128xf32, #tpu.memory_space<hbm>>) dst(%dma_wait3A_73 : memref<64x128xf32, #tpu.memory_space<vmem>>)
    %parallel_loop3A_81 = arith.constant 64 : i32
    %parallel_loop3A_82 = arith.constant 128 : i32
    %parallel_loop3A_83 = arith.constant 1 : i32
    scf.for %parallel_loop3A_152 = %parallel_loop3A_81 to %parallel_loop3A_82 step %parallel_loop3A_83  : i32 {
      %parallel_loop3A_153 = arith.index_cast %parallel_loop3A_152 : i32 to index
      %parallel_loop3A_154 = arith.constant 0 : index
      %parallel_loop3A_155 = tpu.vector_load %arg6[%parallel_loop3A_153, %parallel_loop3A_154] {strides = array<i32>} : memref<256x128xf32, #tpu.memory_space<vmem>>, vector<1x16xf32>,
      %parallel_loop3A_156 = vector.shape_cast %parallel_loop3A_155 : vector<1x16xf32> to vector<16xf32>
      %parallel_loop3A_157 = arith.constant 0.000000e+00 : f32
      %parallel_loop3A_158 = vector.broadcast %parallel_loop3A_157 : f32 to vector<16xf32>
      %parallel_loop3A_159 = arith.maximumf %parallel_loop3A_156, %parallel_loop3A_158 : vector<16xf32>
      %parallel_loop3A_160 = arith.index_cast %parallel_loop3A_152 : i32 to index
      %parallel_loop3A_161 = arith.constant 0 : index
      %parallel_loop3A_162 = tpu.vector_load %arg6[%parallel_loop3A_160, %parallel_loop3A_161] {strides = array<i32>} : memref<256x128xf32, #tpu.memory_space<vmem>>, vector<1x16xf32>,
      %parallel_loop3A_163 = vector.shape_cast %parallel_loop3A_162 : vector<1x16xf32> to vector<16xf32>
      %parallel_loop3A_164 = vector.shape_cast %parallel_loop3A_159 : vector<16xf32> to vector<1x16xf32>
      tpu.vector_store %arg6[%parallel_loop3A_160, %parallel_loop3A_161], %parallel_loop3A_164 {strides = array<i32>} : memref<256x128xf32, #tpu.memory_space<vmem>>, vector<1x16xf32>,
      %parallel_loop3A_165 = arith.index_cast %parallel_loop3A_152 : i32 to index
      %parallel_loop3A_166 = arith.constant 16 : index
      %parallel_loop3A_167 = tpu.vector_load %arg6[%parallel_loop3A_165, %parallel_loop3A_166] {strides = array<i32>} : memref<256x128xf32, #tpu.memory_space<vmem>>, vector<1x16xf32>,
      %parallel_loop3A_168 = vector.shape_cast %parallel_loop3A_167 : vector<1x16xf32> to vector<16xf32>
      %parallel_loop3A_169 = arith.constant 0.000000e+00 : f32
      %parallel_loop3A_170 = vector.broadcast %parallel_loop3A_169 : f32 to vector<16xf32>
      %parallel_loop3A_171 = arith.maximumf %parallel_loop3A_168, %parallel_loop3A_170 : vector<16xf32>
      %parallel_loop3A_172 = arith.index_cast %parallel_loop3A_152 : i32 to index
      %parallel_loop3A_173 = arith.constant 16 : index
      %parallel_loop3A_174 = tpu.vector_load %arg6[%parallel_loop3A_172, %parallel_loop3A_173] {strides = array<i32>} : memref<256x128xf32, #tpu.memory_space<vmem>>, vector<1x16xf32>,
      %parallel_loop3A_175 = vector.shape_cast %parallel_loop3A_174 : vector<1x16xf32> to vector<16xf32>
      %parallel_loop3A_176 = vector.shape_cast %parallel_loop3A_171 : vector<16xf32> to vector<1x16xf32>
      tpu.vector_store %arg6[%parallel_loop3A_172, %parallel_loop3A_173], %parallel_loop3A_176 {strides = array<i32>} : memref<256x128xf32, #tpu.memory_space<vmem>>, vector<1x16xf32>,
      %parallel_loop3A_177 = arith.index_cast %parallel_loop3A_152 : i32 to index
      %parallel_loop3A_178 = arith.constant 32 : index
      %parallel_loop3A_179 = tpu.vector_load %arg6[%parallel_loop3A_177, %parallel_loop3A_178] {strides = array<i32>} : memref<256x128xf32, #tpu.memory_space<vmem>>, vector<1x16xf32>,
      %parallel_loop3A_180 = vector.shape_cast %parallel_loop3A_179 : vector<1x16xf32> to vector<16xf32>
      %parallel_loop3A_181 = arith.constant 0.000000e+00 : f32
      %parallel_loop3A_182 = vector.broadcast %parallel_loop3A_181 : f32 to vector<16xf32>
      %parallel_loop3A_183 = arith.maximumf %parallel_loop3A_180, %parallel_loop3A_182 : vector<16xf32>
      %parallel_loop3A_184 = arith.index_cast %parallel_loop3A_152 : i32 to index
      %parallel_loop3A_185 = arith.constant 32 : index
      %parallel_loop3A_186 = tpu.vector_load %arg6[%parallel_loop3A_184, %parallel_loop3A_185] {strides = array<i32>} : memref<256x128xf32, #tpu.memory_space<vmem>>, vector<1x16xf32>,
      %parallel_loop3A_187 = vector.shape_cast %parallel_loop3A_186 : vector<1x16xf32> to vector<16xf32>
      %parallel_loop3A_188 = vector.shape_cast %parallel_loop3A_183 : vector<16xf32> to vector<1x16xf32>
      tpu.vector_store %arg6[%parallel_loop3A_184, %parallel_loop3A_185], %parallel_loop3A_188 {strides = array<i32>} : memref<256x128xf32, #tpu.memory_space<vmem>>, vector<1x16xf32>,
      %parallel_loop3A_189 = arith.index_cast %parallel_loop3A_152 : i32 to index
      %parallel_loop3A_190 = arith.constant 48 : index
      %parallel_loop3A_191 = tpu.vector_load %arg6[%parallel_loop3A_189, %parallel_loop3A_190] {strides = array<i32>} : memref<256x128xf32, #tpu.memory_space<vmem>>, vector<1x16xf32>,
      %parallel_loop3A_192 = vector.shape_cast %parallel_loop3A_191 : vector<1x16xf32> to vector<16xf32>
      %parallel_loop3A_193 = arith.constant 0.000000e+00 : f32
      %parallel_loop3A_194 = vector.broadcast %parallel_loop3A_193 : f32 to vector<16xf32>
      %parallel_loop3A_195 = arith.maximumf %parallel_loop3A_192, %parallel_loop3A_194 : vector<16xf32>
      %parallel_loop3A_196 = arith.index_cast %parallel_loop3A_152 : i32 to index
      %parallel_loop3A_197 = arith.constant 48 : index
      %parallel_loop3A_198 = tpu.vector_load %arg6[%parallel_loop3A_196, %parallel_loop3A_197] {strides = array<i32>} : memref<256x128xf32, #tpu.memory_space<vmem>>, vector<1x16xf32>,
      %parallel_loop3A_199 = vector.shape_cast %parallel_loop3A_198 : vector<1x16xf32> to vector<16xf32>
      %parallel_loop3A_200 = vector.shape_cast %parallel_loop3A_195 : vector<16xf32> to vector<1x16xf32>
      tpu.vector_store %arg6[%parallel_loop3A_196, %parallel_loop3A_197], %parallel_loop3A_200 {strides = array<i32>} : memref<256x128xf32, #tpu.memory_space<vmem>>, vector<1x16xf32>,
      %parallel_loop3A_201 = arith.index_cast %parallel_loop3A_152 : i32 to index
      %parallel_loop3A_202 = arith.constant 64 : index
      %parallel_loop3A_203 = tpu.vector_load %arg6[%parallel_loop3A_201, %parallel_loop3A_202] {strides = array<i32>} : memref<256x128xf32, #tpu.memory_space<vmem>>, vector<1x16xf32>,
      %parallel_loop3A_204 = vector.shape_cast %parallel_loop3A_203 : vector<1x16xf32> to vector<16xf32>
      %parallel_loop3A_205 = arith.constant 0.000000e+00 : f32
      %parallel_loop3A_206 = vector.broadcast %parallel_loop3A_205 : f32 to vector<16xf32>
      %parallel_loop3A_207 = arith.maximumf %parallel_loop3A_204, %parallel_loop3A_206 : vector<16xf32>
      %parallel_loop3A_208 = arith.index_cast %parallel_loop3A_152 : i32 to index
      %parallel_loop3A_209 = arith.constant 64 : index
      %parallel_loop3A_210 = tpu.vector_load %arg6[%parallel_loop3A_208, %parallel_loop3A_209] {strides = array<i32>} : memref<256x128xf32, #tpu.memory_space<vmem>>, vector<1x16xf32>,
      %parallel_loop3A_211 = vector.shape_cast %parallel_loop3A_210 : vector<1x16xf32> to vector<16xf32>
      %parallel_loop3A_212 = vector.shape_cast %parallel_loop3A_207 : vector<16xf32> to vector<1x16xf32>
      tpu.vector_store %arg6[%parallel_loop3A_208, %parallel_loop3A_209], %parallel_loop3A_212 {strides = array<i32>} : memref<256x128xf32, #tpu.memory_space<vmem>>, vector<1x16xf32>,
      %parallel_loop3A_213 = arith.index_cast %parallel_loop3A_152 : i32 to index
      %parallel_loop3A_214 = arith.constant 80 : index
      %parallel_loop3A_215 = tpu.vector_load %arg6[%parallel_loop3A_213, %parallel_loop3A_214] {strides = array<i32>} : memref<256x128xf32, #tpu.memory_space<vmem>>, vector<1x16xf32>,
      %parallel_loop3A_216 = vector.shape_cast %parallel_loop3A_215 : vector<1x16xf32> to vector<16xf32>
      %parallel_loop3A_217 = arith.constant 0.000000e+00 : f32
      %parallel_loop3A_218 = vector.broadcast %parallel_loop3A_217 : f32 to vector<16xf32>
      %parallel_loop3A_219 = arith.maximumf %parallel_loop3A_216, %parallel_loop3A_218 : vector<16xf32>
      %parallel_loop3A_220 = arith.index_cast %parallel_loop3A_152 : i32 to index
      %parallel_loop3A_221 = arith.constant 80 : index
      %parallel_loop3A_222 = tpu.vector_load %arg6[%parallel_loop3A_220, %parallel_loop3A_221] {strides = array<i32>} : memref<256x128xf32, #tpu.memory_space<vmem>>, vector<1x16xf32>,
      %parallel_loop3A_223 = vector.shape_cast %parallel_loop3A_222 : vector<1x16xf32> to vector<16xf32>
      %parallel_loop3A_224 = vector.shape_cast %parallel_loop3A_219 : vector<16xf32> to vector<1x16xf32>
      tpu.vector_store %arg6[%parallel_loop3A_220, %parallel_loop3A_221], %parallel_loop3A_224 {strides = array<i32>} : memref<256x128xf32, #tpu.memory_space<vmem>>, vector<1x16xf32>,
      %parallel_loop3A_225 = arith.index_cast %parallel_loop3A_152 : i32 to index
      %parallel_loop3A_226 = arith.constant 96 : index
      %parallel_loop3A_227 = tpu.vector_load %arg6[%parallel_loop3A_225, %parallel_loop3A_226] {strides = array<i32>} : memref<256x128xf32, #tpu.memory_space<vmem>>, vector<1x16xf32>,
      %parallel_loop3A_228 = vector.shape_cast %parallel_loop3A_227 : vector<1x16xf32> to vector<16xf32>
      %parallel_loop3A_229 = arith.constant 0.000000e+00 : f32
      %parallel_loop3A_230 = vector.broadcast %parallel_loop3A_229 : f32 to vector<16xf32>
      %parallel_loop3A_231 = arith.maximumf %parallel_loop3A_228, %parallel_loop3A_230 : vector<16xf32>
      %parallel_loop3A_232 = arith.index_cast %parallel_loop3A_152 : i32 to index
      %parallel_loop3A_233 = arith.constant 96 : index
      %parallel_loop3A_234 = tpu.vector_load %arg6[%parallel_loop3A_232, %parallel_loop3A_233] {strides = array<i32>} : memref<256x128xf32, #tpu.memory_space<vmem>>, vector<1x16xf32>,
      %parallel_loop3A_235 = vector.shape_cast %parallel_loop3A_234 : vector<1x16xf32> to vector<16xf32>
      %parallel_loop3A_236 = vector.shape_cast %parallel_loop3A_231 : vector<16xf32> to vector<1x16xf32>
      tpu.vector_store %arg6[%parallel_loop3A_232, %parallel_loop3A_233], %parallel_loop3A_236 {strides = array<i32>} : memref<256x128xf32, #tpu.memory_space<vmem>>, vector<1x16xf32>,
      %parallel_loop3A_237 = arith.index_cast %parallel_loop3A_152 : i32 to index
      %parallel_loop3A_238 = arith.constant 112 : index
      %parallel_loop3A_239 = tpu.vector_load %arg6[%parallel_loop3A_237, %parallel_loop3A_238] {strides = array<i32>} : memref<256x128xf32, #tpu.memory_space<vmem>>, vector<1x16xf32>,
      %parallel_loop3A_240 = vector.shape_cast %parallel_loop3A_239 : vector<1x16xf32> to vector<16xf32>
      %parallel_loop3A_241 = arith.constant 0.000000e+00 : f32
      %parallel_loop3A_242 = vector.broadcast %parallel_loop3A_241 : f32 to vector<16xf32>
      %parallel_loop3A_243 = arith.maximumf %parallel_loop3A_240, %parallel_loop3A_242 : vector<16xf32>
      %parallel_loop3A_244 = arith.index_cast %parallel_loop3A_152 : i32 to index
      %parallel_loop3A_245 = arith.constant 112 : index
      %parallel_loop3A_246 = tpu.vector_load %arg6[%parallel_loop3A_244, %parallel_loop3A_245] {strides = array<i32>} : memref<256x128xf32, #tpu.memory_space<vmem>>, vector<1x16xf32>,
      %parallel_loop3A_247 = vector.shape_cast %parallel_loop3A_246 : vector<1x16xf32> to vector<16xf32>
      %parallel_loop3A_248 = vector.shape_cast %parallel_loop3A_243 : vector<16xf32> to vector<1x16xf32>
      tpu.vector_store %arg6[%parallel_loop3A_244, %parallel_loop3A_245], %parallel_loop3A_248 {strides = array<i32>} : memref<256x128xf32, #tpu.memory_space<vmem>>, vector<1x16xf32>,
    } {sc.loop_unroll_factor = 1 : i64, sc.parallel_access}
    %add3A_84 = arith.constant 64 : i32
    %add3A_85 = arith.addi %mul3A_2, %add3A_84 : i32
    %dma_start3A_86 = arith.constant 64 : i32
    %dma_start3A_87 = arith.constant 0 : i32
    %dma_start3A_88 = tpu.memref_slice %arg6[%dma_start3A_86, %dma_start3A_87] : memref<256x128xf32, #tpu.memory_space<vmem>> -> memref<64x128xf32, #tpu.memory_space<vmem>>
    %dma_start3A_89 = arith.constant 0 : i32
    %dma_start3A_90 = tpu.memref_slice %arg4[%add3A_85, %dma_start3A_89] : memref<8192x128xf32, #tpu.memory_space<hbm>> -> memref<64x128xf32, #tpu.memory_space<hbm>>
    %dma_start3A_91 = arith.constant 0 : i32
    %dma_start3A_92 = tpu.memref_slice %arg4[%add3A_85, %dma_start3A_91] : memref<8192x128xf32, #tpu.memory_space<hbm>> -> memref<64x128xf32, #tpu.memory_space<hbm>>
    %dma_start3A_93 = arith.constant 64 : i32
    %dma_start3A_94 = arith.constant 0 : i32
    %dma_start3A_95 = tpu.memref_slice %arg6[%dma_start3A_93, %dma_start3A_94] : memref<256x128xf32, #tpu.memory_space<vmem>> -> memref<64x128xf32, #tpu.memory_space<vmem>>
    tpu.enqueue_dma source(%dma_start3A_95 : memref<64x128xf32, #tpu.memory_space<vmem>>) target(%dma_start3A_92 : memref<64x128xf32, #tpu.memory_space<hbm>>) target_semaphore(%arg8 : memref<!tpu.dma_semaphore, #tpu.memory_space<semaphore_mem>>)
    %dma_wait3A_96 = arith.constant 2 : i32
    %dma_wait3A_97 = arith.constant 128 : i32
    %dma_wait3A_98 = arith.constant 0 : i32
    %dma_wait3A_99 = tpu.memref_slice %arg6[%dma_wait3A_97, %dma_wait3A_98] : memref<256x128xf32, #tpu.memory_space<vmem>> -> memref<64x128xf32, #tpu.memory_space<vmem>>
    %dma_wait3A_100 = arith.constant 128 : i32
    %dma_wait3A_101 = tpu.memref_slice %arg5[%dma_wait3A_100] : memref<256xi32, #tpu.memory_space<vmem>> -> memref<64xi32, #tpu.memory_space<vmem>>
    %dma_wait3A_102 = arith.constant 0 : i32
    %dma_wait3A_103 = arith.constant 0 : i32
    %dma_wait3A_104 = tpu.memref_slice %arg2[%dma_wait3A_102, %dma_wait3A_103] : memref<10000x128xf32, #tpu.memory_space<hbm>> -> memref<10000x128xf32, #tpu.memory_space<hbm>>
    %dma_wait3A_105 = tpu.memref_slice %arg7[%dma_wait3A_96] : memref<4x!tpu.dma_semaphore, #tpu.memory_space<semaphore_mem>> -> memref<1x!tpu.dma_semaphore, #tpu.memory_space<semaphore_mem>>
    %dma_wait3A_106 = tpu.memref_squeeze %dma_wait3A_105 : memref<1x!tpu.dma_semaphore, #tpu.memory_space<semaphore_mem>> -> memref<!tpu.dma_semaphore, #tpu.memory_space<semaphore_mem>>
    tpu.wait_indirect_dma semaphore(%dma_wait3A_106 : memref<!tpu.dma_semaphore, #tpu.memory_space<semaphore_mem>>) src(%dma_wait3A_104 : memref<10000x128xf32, #tpu.memory_space<hbm>>) dst(%dma_wait3A_99 : memref<64x128xf32, #tpu.memory_space<vmem>>)
    %parallel_loop3A_107 = arith.constant 128 : i32
    %parallel_loop3A_108 = arith.constant 192 : i32
    %parallel_loop3A_109 = arith.constant 1 : i32
    scf.for %parallel_loop3A_152 = %parallel_loop3A_107 to %parallel_loop3A_108 step %parallel_loop3A_109  : i32 {
      %parallel_loop3A_153 = arith.index_cast %parallel_loop3A_152 : i32 to index
      %parallel_loop3A_154 = arith.constant 0 : index
      %parallel_loop3A_155 = tpu.vector_load %arg6[%parallel_loop3A_153, %parallel_loop3A_154] {strides = array<i32>} : memref<256x128xf32, #tpu.memory_space<vmem>>, vector<1x16xf32>,
      %parallel_loop3A_156 = vector.shape_cast %parallel_loop3A_155 : vector<1x16xf32> to vector<16xf32>
      %parallel_loop3A_157 = arith.constant 0.000000e+00 : f32
      %parallel_loop3A_158 = vector.broadcast %parallel_loop3A_157 : f32 to vector<16xf32>
      %parallel_loop3A_159 = arith.maximumf %parallel_loop3A_156, %parallel_loop3A_158 : vector<16xf32>
      %parallel_loop3A_160 = arith.index_cast %parallel_loop3A_152 : i32 to index
      %parallel_loop3A_161 = arith.constant 0 : index
      %parallel_loop3A_162 = tpu.vector_load %arg6[%parallel_loop3A_160, %parallel_loop3A_161] {strides = array<i32>} : memref<256x128xf32, #tpu.memory_space<vmem>>, vector<1x16xf32>,
      %parallel_loop3A_163 = vector.shape_cast %parallel_loop3A_162 : vector<1x16xf32> to vector<16xf32>
      %parallel_loop3A_164 = vector.shape_cast %parallel_loop3A_159 : vector<16xf32> to vector<1x16xf32>
      tpu.vector_store %arg6[%parallel_loop3A_160, %parallel_loop3A_161], %parallel_loop3A_164 {strides = array<i32>} : memref<256x128xf32, #tpu.memory_space<vmem>>, vector<1x16xf32>,
      %parallel_loop3A_165 = arith.index_cast %parallel_loop3A_152 : i32 to index
      %parallel_loop3A_166 = arith.constant 16 : index
      %parallel_loop3A_167 = tpu.vector_load %arg6[%parallel_loop3A_165, %parallel_loop3A_166] {strides = array<i32>} : memref<256x128xf32, #tpu.memory_space<vmem>>, vector<1x16xf32>,
      %parallel_loop3A_168 = vector.shape_cast %parallel_loop3A_167 : vector<1x16xf32> to vector<16xf32>
      %parallel_loop3A_169 = arith.constant 0.000000e+00 : f32
      %parallel_loop3A_170 = vector.broadcast %parallel_loop3A_169 : f32 to vector<16xf32>
      %parallel_loop3A_171 = arith.maximumf %parallel_loop3A_168, %parallel_loop3A_170 : vector<16xf32>
      %parallel_loop3A_172 = arith.index_cast %parallel_loop3A_152 : i32 to index
      %parallel_loop3A_173 = arith.constant 16 : index
      %parallel_loop3A_174 = tpu.vector_load %arg6[%parallel_loop3A_172, %parallel_loop3A_173] {strides = array<i32>} : memref<256x128xf32, #tpu.memory_space<vmem>>, vector<1x16xf32>,
      %parallel_loop3A_175 = vector.shape_cast %parallel_loop3A_174 : vector<1x16xf32> to vector<16xf32>
      %parallel_loop3A_176 = vector.shape_cast %parallel_loop3A_171 : vector<16xf32> to vector<1x16xf32>
      tpu.vector_store %arg6[%parallel_loop3A_172, %parallel_loop3A_173], %parallel_loop3A_176 {strides = array<i32>} : memref<256x128xf32, #tpu.memory_space<vmem>>, vector<1x16xf32>,
      %parallel_loop3A_177 = arith.index_cast %parallel_loop3A_152 : i32 to index
      %parallel_loop3A_178 = arith.constant 32 : index
      %parallel_loop3A_179 = tpu.vector_load %arg6[%parallel_loop3A_177, %parallel_loop3A_178] {strides = array<i32>} : memref<256x128xf32, #tpu.memory_space<vmem>>, vector<1x16xf32>,
      %parallel_loop3A_180 = vector.shape_cast %parallel_loop3A_179 : vector<1x16xf32> to vector<16xf32>
      %parallel_loop3A_181 = arith.constant 0.000000e+00 : f32
      %parallel_loop3A_182 = vector.broadcast %parallel_loop3A_181 : f32 to vector<16xf32>
      %parallel_loop3A_183 = arith.maximumf %parallel_loop3A_180, %parallel_loop3A_182 : vector<16xf32>
      %parallel_loop3A_184 = arith.index_cast %parallel_loop3A_152 : i32 to index
      %parallel_loop3A_185 = arith.constant 32 : index
      %parallel_loop3A_186 = tpu.vector_load %arg6[%parallel_loop3A_184, %parallel_loop3A_185] {strides = array<i32>} : memref<256x128xf32, #tpu.memory_space<vmem>>, vector<1x16xf32>,
      %parallel_loop3A_187 = vector.shape_cast %parallel_loop3A_186 : vector<1x16xf32> to vector<16xf32>
      %parallel_loop3A_188 = vector.shape_cast %parallel_loop3A_183 : vector<16xf32> to vector<1x16xf32>
      tpu.vector_store %arg6[%parallel_loop3A_184, %parallel_loop3A_185], %parallel_loop3A_188 {strides = array<i32>} : memref<256x128xf32, #tpu.memory_space<vmem>>, vector<1x16xf32>,
      %parallel_loop3A_189 = arith.index_cast %parallel_loop3A_152 : i32 to index
      %parallel_loop3A_190 = arith.constant 48 : index
      %parallel_loop3A_191 = tpu.vector_load %arg6[%parallel_loop3A_189, %parallel_loop3A_190] {strides = array<i32>} : memref<256x128xf32, #tpu.memory_space<vmem>>, vector<1x16xf32>,
      %parallel_loop3A_192 = vector.shape_cast %parallel_loop3A_191 : vector<1x16xf32> to vector<16xf32>
      %parallel_loop3A_193 = arith.constant 0.000000e+00 : f32
      %parallel_loop3A_194 = vector.broadcast %parallel_loop3A_193 : f32 to vector<16xf32>
      %parallel_loop3A_195 = arith.maximumf %parallel_loop3A_192, %parallel_loop3A_194 : vector<16xf32>
      %parallel_loop3A_196 = arith.index_cast %parallel_loop3A_152 : i32 to index
      %parallel_loop3A_197 = arith.constant 48 : index
      %parallel_loop3A_198 = tpu.vector_load %arg6[%parallel_loop3A_196, %parallel_loop3A_197] {strides = array<i32>} : memref<256x128xf32, #tpu.memory_space<vmem>>, vector<1x16xf32>,
      %parallel_loop3A_199 = vector.shape_cast %parallel_loop3A_198 : vector<1x16xf32> to vector<16xf32>
      %parallel_loop3A_200 = vector.shape_cast %parallel_loop3A_195 : vector<16xf32> to vector<1x16xf32>
      tpu.vector_store %arg6[%parallel_loop3A_196, %parallel_loop3A_197], %parallel_loop3A_200 {strides = array<i32>} : memref<256x128xf32, #tpu.memory_space<vmem>>, vector<1x16xf32>,
      %parallel_loop3A_201 = arith.index_cast %parallel_loop3A_152 : i32 to index
      %parallel_loop3A_202 = arith.constant 64 : index
      %parallel_loop3A_203 = tpu.vector_load %arg6[%parallel_loop3A_201, %parallel_loop3A_202] {strides = array<i32>} : memref<256x128xf32, #tpu.memory_space<vmem>>, vector<1x16xf32>,
      %parallel_loop3A_204 = vector.shape_cast %parallel_loop3A_203 : vector<1x16xf32> to vector<16xf32>
      %parallel_loop3A_205 = arith.constant 0.000000e+00 : f32
      %parallel_loop3A_206 = vector.broadcast %parallel_loop3A_205 : f32 to vector<16xf32>
      %parallel_loop3A_207 = arith.maximumf %parallel_loop3A_204, %parallel_loop3A_206 : vector<16xf32>
      %parallel_loop3A_208 = arith.index_cast %parallel_loop3A_152 : i32 to index
      %parallel_loop3A_209 = arith.constant 64 : index
      %parallel_loop3A_210 = tpu.vector_load %arg6[%parallel_loop3A_208, %parallel_loop3A_209] {strides = array<i32>} : memref<256x128xf32, #tpu.memory_space<vmem>>, vector<1x16xf32>,
      %parallel_loop3A_211 = vector.shape_cast %parallel_loop3A_210 : vector<1x16xf32> to vector<16xf32>
      %parallel_loop3A_212 = vector.shape_cast %parallel_loop3A_207 : vector<16xf32> to vector<1x16xf32>
      tpu.vector_store %arg6[%parallel_loop3A_208, %parallel_loop3A_209], %parallel_loop3A_212 {strides = array<i32>} : memref<256x128xf32, #tpu.memory_space<vmem>>, vector<1x16xf32>,
      %parallel_loop3A_213 = arith.index_cast %parallel_loop3A_152 : i32 to index
      %parallel_loop3A_214 = arith.constant 80 : index
      %parallel_loop3A_215 = tpu.vector_load %arg6[%parallel_loop3A_213, %parallel_loop3A_214] {strides = array<i32>} : memref<256x128xf32, #tpu.memory_space<vmem>>, vector<1x16xf32>,
      %parallel_loop3A_216 = vector.shape_cast %parallel_loop3A_215 : vector<1x16xf32> to vector<16xf32>
      %parallel_loop3A_217 = arith.constant 0.000000e+00 : f32
      %parallel_loop3A_218 = vector.broadcast %parallel_loop3A_217 : f32 to vector<16xf32>
      %parallel_loop3A_219 = arith.maximumf %parallel_loop3A_216, %parallel_loop3A_218 : vector<16xf32>
      %parallel_loop3A_220 = arith.index_cast %parallel_loop3A_152 : i32 to index
      %parallel_loop3A_221 = arith.constant 80 : index
      %parallel_loop3A_222 = tpu.vector_load %arg6[%parallel_loop3A_220, %parallel_loop3A_221] {strides = array<i32>} : memref<256x128xf32, #tpu.memory_space<vmem>>, vector<1x16xf32>,
      %parallel_loop3A_223 = vector.shape_cast %parallel_loop3A_222 : vector<1x16xf32> to vector<16xf32>
      %parallel_loop3A_224 = vector.shape_cast %parallel_loop3A_219 : vector<16xf32> to vector<1x16xf32>
      tpu.vector_store %arg6[%parallel_loop3A_220, %parallel_loop3A_221], %parallel_loop3A_224 {strides = array<i32>} : memref<256x128xf32, #tpu.memory_space<vmem>>, vector<1x16xf32>,
      %parallel_loop3A_225 = arith.index_cast %parallel_loop3A_152 : i32 to index
      %parallel_loop3A_226 = arith.constant 96 : index
      %parallel_loop3A_227 = tpu.vector_load %arg6[%parallel_loop3A_225, %parallel_loop3A_226] {strides = array<i32>} : memref<256x128xf32, #tpu.memory_space<vmem>>, vector<1x16xf32>,
      %parallel_loop3A_228 = vector.shape_cast %parallel_loop3A_227 : vector<1x16xf32> to vector<16xf32>
      %parallel_loop3A_229 = arith.constant 0.000000e+00 : f32
      %parallel_loop3A_230 = vector.broadcast %parallel_loop3A_229 : f32 to vector<16xf32>
      %parallel_loop3A_231 = arith.maximumf %parallel_loop3A_228, %parallel_loop3A_230 : vector<16xf32>
      %parallel_loop3A_232 = arith.index_cast %parallel_loop3A_152 : i32 to index
      %parallel_loop3A_233 = arith.constant 96 : index
      %parallel_loop3A_234 = tpu.vector_load %arg6[%parallel_loop3A_232, %parallel_loop3A_233] {strides = array<i32>} : memref<256x128xf32, #tpu.memory_space<vmem>>, vector<1x16xf32>,
      %parallel_loop3A_235 = vector.shape_cast %parallel_loop3A_234 : vector<1x16xf32> to vector<16xf32>
      %parallel_loop3A_236 = vector.shape_cast %parallel_loop3A_231 : vector<16xf32> to vector<1x16xf32>
      tpu.vector_store %arg6[%parallel_loop3A_232, %parallel_loop3A_233], %parallel_loop3A_236 {strides = array<i32>} : memref<256x128xf32, #tpu.memory_space<vmem>>, vector<1x16xf32>,
      %parallel_loop3A_237 = arith.index_cast %parallel_loop3A_152 : i32 to index
      %parallel_loop3A_238 = arith.constant 112 : index
      %parallel_loop3A_239 = tpu.vector_load %arg6[%parallel_loop3A_237, %parallel_loop3A_238] {strides = array<i32>} : memref<256x128xf32, #tpu.memory_space<vmem>>, vector<1x16xf32>,
      %parallel_loop3A_240 = vector.shape_cast %parallel_loop3A_239 : vector<1x16xf32> to vector<16xf32>
      %parallel_loop3A_241 = arith.constant 0.000000e+00 : f32
      %parallel_loop3A_242 = vector.broadcast %parallel_loop3A_241 : f32 to vector<16xf32>
      %parallel_loop3A_243 = arith.maximumf %parallel_loop3A_240, %parallel_loop3A_242 : vector<16xf32>
      %parallel_loop3A_244 = arith.index_cast %parallel_loop3A_152 : i32 to index
      %parallel_loop3A_245 = arith.constant 112 : index
      %parallel_loop3A_246 = tpu.vector_load %arg6[%parallel_loop3A_244, %parallel_loop3A_245] {strides = array<i32>} : memref<256x128xf32, #tpu.memory_space<vmem>>, vector<1x16xf32>,
      %parallel_loop3A_247 = vector.shape_cast %parallel_loop3A_246 : vector<1x16xf32> to vector<16xf32>
      %parallel_loop3A_248 = vector.shape_cast %parallel_loop3A_243 : vector<16xf32> to vector<1x16xf32>
      tpu.vector_store %arg6[%parallel_loop3A_244, %parallel_loop3A_245], %parallel_loop3A_248 {strides = array<i32>} : memref<256x128xf32, #tpu.memory_space<vmem>>, vector<1x16xf32>,
    } {sc.loop_unroll_factor = 1 : i64, sc.parallel_access}
    %add3A_110 = arith.constant 128 : i32
    %add3A_111 = arith.addi %mul3A_2, %add3A_110 : i32
    %dma_start3A_112 = arith.constant 128 : i32
    %dma_start3A_113 = arith.constant 0 : i32
    %dma_start3A_114 = tpu.memref_slice %arg6[%dma_start3A_112, %dma_start3A_113] : memref<256x128xf32, #tpu.memory_space<vmem>> -> memref<64x128xf32, #tpu.memory_space<vmem>>
    %dma_start3A_115 = arith.constant 0 : i32
    %dma_start3A_116 = tpu.memref_slice %arg4[%add3A_111, %dma_start3A_115] : memref<8192x128xf32, #tpu.memory_space<hbm>> -> memref<64x128xf32, #tpu.memory_space<hbm>>
    %dma_start3A_117 = arith.constant 0 : i32
    %dma_start3A_118 = tpu.memref_slice %arg4[%add3A_111, %dma_start3A_117] : memref<8192x128xf32, #tpu.memory_space<hbm>> -> memref<64x128xf32, #tpu.memory_space<hbm>>
    %dma_start3A_119 = arith.constant 128 : i32
    %dma_start3A_120 = arith.constant 0 : i32
    %dma_start3A_121 = tpu.memref_slice %arg6[%dma_start3A_119, %dma_start3A_120] : memref<256x128xf32, #tpu.memory_space<vmem>> -> memref<64x128xf32, #tpu.memory_space<vmem>>
    tpu.enqueue_dma source(%dma_start3A_121 : memref<64x128xf32, #tpu.memory_space<vmem>>) target(%dma_start3A_118 : memref<64x128xf32, #tpu.memory_space<hbm>>) target_semaphore(%arg8 : memref<!tpu.dma_semaphore, #tpu.memory_space<semaphore_mem>>)
    %dma_wait3A_122 = arith.constant 3 : i32
    %dma_wait3A_123 = arith.constant 192 : i32
    %dma_wait3A_124 = arith.constant 0 : i32
    %dma_wait3A_125 = tpu.memref_slice %arg6[%dma_wait3A_123, %dma_wait3A_124] : memref<256x128xf32, #tpu.memory_space<vmem>> -> memref<64x128xf32, #tpu.memory_space<vmem>>
    %dma_wait3A_126 = arith.constant 192 : i32
    %dma_wait3A_127 = tpu.memref_slice %arg5[%dma_wait3A_126] : memref<256xi32, #tpu.memory_space<vmem>> -> memref<64xi32, #tpu.memory_space<vmem>>
    %dma_wait3A_128 = arith.constant 0 : i32
    %dma_wait3A_129 = arith.constant 0 : i32
    %dma_wait3A_130 = tpu.memref_slice %arg2[%dma_wait3A_128, %dma_wait3A_129] : memref<10000x128xf32, #tpu.memory_space<hbm>> -> memref<10000x128xf32, #tpu.memory_space<hbm>>
    %dma_wait3A_131 = tpu.memref_slice %arg7[%dma_wait3A_122] : memref<4x!tpu.dma_semaphore, #tpu.memory_space<semaphore_mem>> -> memref<1x!tpu.dma_semaphore, #tpu.memory_space<semaphore_mem>>
    %dma_wait3A_132 = tpu.memref_squeeze %dma_wait3A_131 : memref<1x!tpu.dma_semaphore, #tpu.memory_space<semaphore_mem>> -> memref<!tpu.dma_semaphore, #tpu.memory_space<semaphore_mem>>
    tpu.wait_indirect_dma semaphore(%dma_wait3A_132 : memref<!tpu.dma_semaphore, #tpu.memory_space<semaphore_mem>>) src(%dma_wait3A_130 : memref<10000x128xf32, #tpu.memory_space<hbm>>) dst(%dma_wait3A_125 : memref<64x128xf32, #tpu.memory_space<vmem>>)
    %parallel_loop3A_133 = arith.constant 192 : i32
    %parallel_loop3A_134 = arith.constant 256 : i32
    %parallel_loop3A_135 = arith.constant 1 : i32
    scf.for %parallel_loop3A_152 = %parallel_loop3A_133 to %parallel_loop3A_134 step %parallel_loop3A_135  : i32 {
      %parallel_loop3A_153 = arith.index_cast %parallel_loop3A_152 : i32 to index
      %parallel_loop3A_154 = arith.constant 0 : index
      %parallel_loop3A_155 = tpu.vector_load %arg6[%parallel_loop3A_153, %parallel_loop3A_154] {strides = array<i32>} : memref<256x128xf32, #tpu.memory_space<vmem>>, vector<1x16xf32>,
      %parallel_loop3A_156 = vector.shape_cast %parallel_loop3A_155 : vector<1x16xf32> to vector<16xf32>
      %parallel_loop3A_157 = arith.constant 0.000000e+00 : f32
      %parallel_loop3A_158 = vector.broadcast %parallel_loop3A_157 : f32 to vector<16xf32>
      %parallel_loop3A_159 = arith.maximumf %parallel_loop3A_156, %parallel_loop3A_158 : vector<16xf32>
      %parallel_loop3A_160 = arith.index_cast %parallel_loop3A_152 : i32 to index
      %parallel_loop3A_161 = arith.constant 0 : index
      %parallel_loop3A_162 = tpu.vector_load %arg6[%parallel_loop3A_160, %parallel_loop3A_161] {strides = array<i32>} : memref<256x128xf32, #tpu.memory_space<vmem>>, vector<1x16xf32>,
      %parallel_loop3A_163 = vector.shape_cast %parallel_loop3A_162 : vector<1x16xf32> to vector<16xf32>
      %parallel_loop3A_164 = vector.shape_cast %parallel_loop3A_159 : vector<16xf32> to vector<1x16xf32>
      tpu.vector_store %arg6[%parallel_loop3A_160, %parallel_loop3A_161], %parallel_loop3A_164 {strides = array<i32>} : memref<256x128xf32, #tpu.memory_space<vmem>>, vector<1x16xf32>,
      %parallel_loop3A_165 = arith.index_cast %parallel_loop3A_152 : i32 to index
      %parallel_loop3A_166 = arith.constant 16 : index
      %parallel_loop3A_167 = tpu.vector_load %arg6[%parallel_loop3A_165, %parallel_loop3A_166] {strides = array<i32>} : memref<256x128xf32, #tpu.memory_space<vmem>>, vector<1x16xf32>,
      %parallel_loop3A_168 = vector.shape_cast %parallel_loop3A_167 : vector<1x16xf32> to vector<16xf32>
      %parallel_loop3A_169 = arith.constant 0.000000e+00 : f32
      %parallel_loop3A_170 = vector.broadcast %parallel_loop3A_169 : f32 to vector<16xf32>
      %parallel_loop3A_171 = arith.maximumf %parallel_loop3A_168, %parallel_loop3A_170 : vector<16xf32>
      %parallel_loop3A_172 = arith.index_cast %parallel_loop3A_152 : i32 to index
      %parallel_loop3A_173 = arith.constant 16 : index
      %parallel_loop3A_174 = tpu.vector_load %arg6[%parallel_loop3A_172, %parallel_loop3A_173] {strides = array<i32>} : memref<256x128xf32, #tpu.memory_space<vmem>>, vector<1x16xf32>,
      %parallel_loop3A_175 = vector.shape_cast %parallel_loop3A_174 : vector<1x16xf32> to vector<16xf32>
      %parallel_loop3A_176 = vector.shape_cast %parallel_loop3A_171 : vector<16xf32> to vector<1x16xf32>
      tpu.vector_store %arg6[%parallel_loop3A_172, %parallel_loop3A_173], %parallel_loop3A_176 {strides = array<i32>} : memref<256x128xf32, #tpu.memory_space<vmem>>, vector<1x16xf32>,
      %parallel_loop3A_177 = arith.index_cast %parallel_loop3A_152 : i32 to index
      %parallel_loop3A_178 = arith.constant 32 : index
      %parallel_loop3A_179 = tpu.vector_load %arg6[%parallel_loop3A_177, %parallel_loop3A_178] {strides = array<i32>} : memref<256x128xf32, #tpu.memory_space<vmem>>, vector<1x16xf32>,
      %parallel_loop3A_180 = vector.shape_cast %parallel_loop3A_179 : vector<1x16xf32> to vector<16xf32>
      %parallel_loop3A_181 = arith.constant 0.000000e+00 : f32
      %parallel_loop3A_182 = vector.broadcast %parallel_loop3A_181 : f32 to vector<16xf32>
      %parallel_loop3A_183 = arith.maximumf %parallel_loop3A_180, %parallel_loop3A_182 : vector<16xf32>
      %parallel_loop3A_184 = arith.index_cast %parallel_loop3A_152 : i32 to index
      %parallel_loop3A_185 = arith.constant 32 : index
      %parallel_loop3A_186 = tpu.vector_load %arg6[%parallel_loop3A_184, %parallel_loop3A_185] {strides = array<i32>} : memref<256x128xf32, #tpu.memory_space<vmem>>, vector<1x16xf32>,
      %parallel_loop3A_187 = vector.shape_cast %parallel_loop3A_186 : vector<1x16xf32> to vector<16xf32>
      %parallel_loop3A_188 = vector.shape_cast %parallel_loop3A_183 : vector<16xf32> to vector<1x16xf32>
      tpu.vector_store %arg6[%parallel_loop3A_184, %parallel_loop3A_185], %parallel_loop3A_188 {strides = array<i32>} : memref<256x128xf32, #tpu.memory_space<vmem>>, vector<1x16xf32>,
      %parallel_loop3A_189 = arith.index_cast %parallel_loop3A_152 : i32 to index
      %parallel_loop3A_190 = arith.constant 48 : index
      %parallel_loop3A_191 = tpu.vector_load %arg6[%parallel_loop3A_189, %parallel_loop3A_190] {strides = array<i32>} : memref<256x128xf32, #tpu.memory_space<vmem>>, vector<1x16xf32>,
      %parallel_loop3A_192 = vector.shape_cast %parallel_loop3A_191 : vector<1x16xf32> to vector<16xf32>
      %parallel_loop3A_193 = arith.constant 0.000000e+00 : f32
      %parallel_loop3A_194 = vector.broadcast %parallel_loop3A_193 : f32 to vector<16xf32>
      %parallel_loop3A_195 = arith.maximumf %parallel_loop3A_192, %parallel_loop3A_194 : vector<16xf32>
      %parallel_loop3A_196 = arith.index_cast %parallel_loop3A_152 : i32 to index
      %parallel_loop3A_197 = arith.constant 48 : index
      %parallel_loop3A_198 = tpu.vector_load %arg6[%parallel_loop3A_196, %parallel_loop3A_197] {strides = array<i32>} : memref<256x128xf32, #tpu.memory_space<vmem>>, vector<1x16xf32>,
      %parallel_loop3A_199 = vector.shape_cast %parallel_loop3A_198 : vector<1x16xf32> to vector<16xf32>
      %parallel_loop3A_200 = vector.shape_cast %parallel_loop3A_195 : vector<16xf32> to vector<1x16xf32>
      tpu.vector_store %arg6[%parallel_loop3A_196, %parallel_loop3A_197], %parallel_loop3A_200 {strides = array<i32>} : memref<256x128xf32, #tpu.memory_space<vmem>>, vector<1x16xf32>,
      %parallel_loop3A_201 = arith.index_cast %parallel_loop3A_152 : i32 to index
      %parallel_loop3A_202 = arith.constant 64 : index
      %parallel_loop3A_203 = tpu.vector_load %arg6[%parallel_loop3A_201, %parallel_loop3A_202] {strides = array<i32>} : memref<256x128xf32, #tpu.memory_space<vmem>>, vector<1x16xf32>,
      %parallel_loop3A_204 = vector.shape_cast %parallel_loop3A_203 : vector<1x16xf32> to vector<16xf32>
      %parallel_loop3A_205 = arith.constant 0.000000e+00 : f32
      %parallel_loop3A_206 = vector.broadcast %parallel_loop3A_205 : f32 to vector<16xf32>
      %parallel_loop3A_207 = arith.maximumf %parallel_loop3A_204, %parallel_loop3A_206 : vector<16xf32>
      %parallel_loop3A_208 = arith.index_cast %parallel_loop3A_152 : i32 to index
      %parallel_loop3A_209 = arith.constant 64 : index
      %parallel_loop3A_210 = tpu.vector_load %arg6[%parallel_loop3A_208, %parallel_loop3A_209] {strides = array<i32>} : memref<256x128xf32, #tpu.memory_space<vmem>>, vector<1x16xf32>,
      %parallel_loop3A_211 = vector.shape_cast %parallel_loop3A_210 : vector<1x16xf32> to vector<16xf32>
      %parallel_loop3A_212 = vector.shape_cast %parallel_loop3A_207 : vector<16xf32> to vector<1x16xf32>
      tpu.vector_store %arg6[%parallel_loop3A_208, %parallel_loop3A_209], %parallel_loop3A_212 {strides = array<i32>} : memref<256x128xf32, #tpu.memory_space<vmem>>, vector<1x16xf32>,
      %parallel_loop3A_213 = arith.index_cast %parallel_loop3A_152 : i32 to index
      %parallel_loop3A_214 = arith.constant 80 : index
      %parallel_loop3A_215 = tpu.vector_load %arg6[%parallel_loop3A_213, %parallel_loop3A_214] {strides = array<i32>} : memref<256x128xf32, #tpu.memory_space<vmem>>, vector<1x16xf32>,
      %parallel_loop3A_216 = vector.shape_cast %parallel_loop3A_215 : vector<1x16xf32> to vector<16xf32>
      %parallel_loop3A_217 = arith.constant 0.000000e+00 : f32
      %parallel_loop3A_218 = vector.broadcast %parallel_loop3A_217 : f32 to vector<16xf32>
      %parallel_loop3A_219 = arith.maximumf %parallel_loop3A_216, %parallel_loop3A_218 : vector<16xf32>
      %parallel_loop3A_220 = arith.index_cast %parallel_loop3A_152 : i32 to index
      %parallel_loop3A_221 = arith.constant 80 : index
      %parallel_loop3A_222 = tpu.vector_load %arg6[%parallel_loop3A_220, %parallel_loop3A_221] {strides = array<i32>} : memref<256x128xf32, #tpu.memory_space<vmem>>, vector<1x16xf32>,
      %parallel_loop3A_223 = vector.shape_cast %parallel_loop3A_222 : vector<1x16xf32> to vector<16xf32>
      %parallel_loop3A_224 = vector.shape_cast %parallel_loop3A_219 : vector<16xf32> to vector<1x16xf32>
      tpu.vector_store %arg6[%parallel_loop3A_220, %parallel_loop3A_221], %parallel_loop3A_224 {strides = array<i32>} : memref<256x128xf32, #tpu.memory_space<vmem>>, vector<1x16xf32>,
      %parallel_loop3A_225 = arith.index_cast %parallel_loop3A_152 : i32 to index
      %parallel_loop3A_226 = arith.constant 96 : index
      %parallel_loop3A_227 = tpu.vector_load %arg6[%parallel_loop3A_225, %parallel_loop3A_226] {strides = array<i32>} : memref<256x128xf32, #tpu.memory_space<vmem>>, vector<1x16xf32>,
      %parallel_loop3A_228 = vector.shape_cast %parallel_loop3A_227 : vector<1x16xf32> to vector<16xf32>
      %parallel_loop3A_229 = arith.constant 0.000000e+00 : f32
      %parallel_loop3A_230 = vector.broadcast %parallel_loop3A_229 : f32 to vector<16xf32>
      %parallel_loop3A_231 = arith.maximumf %parallel_loop3A_228, %parallel_loop3A_230 : vector<16xf32>
      %parallel_loop3A_232 = arith.index_cast %parallel_loop3A_152 : i32 to index
      %parallel_loop3A_233 = arith.constant 96 : index
      %parallel_loop3A_234 = tpu.vector_load %arg6[%parallel_loop3A_232, %parallel_loop3A_233] {strides = array<i32>} : memref<256x128xf32, #tpu.memory_space<vmem>>, vector<1x16xf32>,
      %parallel_loop3A_235 = vector.shape_cast %parallel_loop3A_234 : vector<1x16xf32> to vector<16xf32>
      %parallel_loop3A_236 = vector.shape_cast %parallel_loop3A_231 : vector<16xf32> to vector<1x16xf32>
      tpu.vector_store %arg6[%parallel_loop3A_232, %parallel_loop3A_233], %parallel_loop3A_236 {strides = array<i32>} : memref<256x128xf32, #tpu.memory_space<vmem>>, vector<1x16xf32>,
      %parallel_loop3A_237 = arith.index_cast %parallel_loop3A_152 : i32 to index
      %parallel_loop3A_238 = arith.constant 112 : index
      %parallel_loop3A_239 = tpu.vector_load %arg6[%parallel_loop3A_237, %parallel_loop3A_238] {strides = array<i32>} : memref<256x128xf32, #tpu.memory_space<vmem>>, vector<1x16xf32>,
      %parallel_loop3A_240 = vector.shape_cast %parallel_loop3A_239 : vector<1x16xf32> to vector<16xf32>
      %parallel_loop3A_241 = arith.constant 0.000000e+00 : f32
      %parallel_loop3A_242 = vector.broadcast %parallel_loop3A_241 : f32 to vector<16xf32>
      %parallel_loop3A_243 = arith.maximumf %parallel_loop3A_240, %parallel_loop3A_242 : vector<16xf32>
      %parallel_loop3A_244 = arith.index_cast %parallel_loop3A_152 : i32 to index
      %parallel_loop3A_245 = arith.constant 112 : index
      %parallel_loop3A_246 = tpu.vector_load %arg6[%parallel_loop3A_244, %parallel_loop3A_245] {strides = array<i32>} : memref<256x128xf32, #tpu.memory_space<vmem>>, vector<1x16xf32>,
      %parallel_loop3A_247 = vector.shape_cast %parallel_loop3A_246 : vector<1x16xf32> to vector<16xf32>
      %parallel_loop3A_248 = vector.shape_cast %parallel_loop3A_243 : vector<16xf32> to vector<1x16xf32>
      tpu.vector_store %arg6[%parallel_loop3A_244, %parallel_loop3A_245], %parallel_loop3A_248 {strides = array<i32>} : memref<256x128xf32, #tpu.memory_space<vmem>>, vector<1x16xf32>,
    } {sc.loop_unroll_factor = 1 : i64, sc.parallel_access}
    %add3A_136 = arith.constant 192 : i32
    %add3A_137 = arith.addi %mul3A_2, %add3A_136 : i32
    %dma_start3A_138 = arith.constant 192 : i32
    %dma_start3A_139 = arith.constant 0 : i32
    %dma_start3A_140 = tpu.memref_slice %arg6[%dma_start3A_138, %dma_start3A_139] : memref<256x128xf32, #tpu.memory_space<vmem>> -> memref<64x128xf32, #tpu.memory_space<vmem>>
    %dma_start3A_141 = arith.constant 0 : i32
    %dma_start3A_142 = tpu.memref_slice %arg4[%add3A_137, %dma_start3A_141] : memref<8192x128xf32, #tpu.memory_space<hbm>> -> memref<64x128xf32, #tpu.memory_space<hbm>>
    %dma_start3A_143 = arith.constant 0 : i32
    %dma_start3A_144 = tpu.memref_slice %arg4[%add3A_137, %dma_start3A_143] : memref<8192x128xf32, #tpu.memory_space<hbm>> -> memref<64x128xf32, #tpu.memory_space<hbm>>
    %dma_start3A_145 = arith.constant 192 : i32
    %dma_start3A_146 = arith.constant 0 : i32
    %dma_start3A_147 = tpu.memref_slice %arg6[%dma_start3A_145, %dma_start3A_146] : memref<256x128xf32, #tpu.memory_space<vmem>> -> memref<64x128xf32, #tpu.memory_space<vmem>>
    tpu.enqueue_dma source(%dma_start3A_147 : memref<64x128xf32, #tpu.memory_space<vmem>>) target(%dma_start3A_144 : memref<64x128xf32, #tpu.memory_space<hbm>>) target_semaphore(%arg8 : memref<!tpu.dma_semaphore, #tpu.memory_space<semaphore_mem>>)
    %dma_wait3A_148 = arith.constant 0 : i32
    %dma_wait3A_149 = tpu.memref_slice %arg4[%mul3A_2, %dma_wait3A_148] : memref<8192x128xf32, #tpu.memory_space<hbm>> -> memref<256x128xf32, #tpu.memory_space<hbm>>
    %dma_wait3A_150 = arith.constant 0 : i32
    %dma_wait3A_151 = tpu.memref_slice %arg4[%mul3A_2, %dma_wait3A_150] : memref<8192x128xf32, #tpu.memory_space<hbm>> -> memref<256x128xf32, #tpu.memory_space<hbm>>
    tpu.wait_dma2 semaphore(%arg8 : memref<!tpu.dma_semaphore, #tpu.memory_space<semaphore_mem>>) src(%arg6 : memref<256x128xf32, #tpu.memory_space<vmem>>) dst(%dma_wait3A_151 : memref<256x128xf32, #tpu.memory_space<hbm>>)
    return
  }
}

</mosaic_0001>

<sc_bundles>
// kernel: _gather_relu.3.cloned.1.call-start
scs
__scs_entry_jumppad:
0x0: {  	(pc) =	sbr.rel $0x88, $3  }
0x1: {  	(tag) =	ssettag $0x0;
	lr =	simm.s32 $0x1  }
0x2: {  	[smem:$0x3F9F] =	sst lr;
	_ =	strace $0xD0000000  }
0x3: {  	_ = 	snop  }
0x4: {  	_ = 	snop  }
0x5: {  	_ = 	snop  }
0x6: {  	_ = 	snop  }
0x7: {  	_ = 	snop  }
__scs_overlays_trampoline_lowered:
0x8: {  	[smem:$0x3FAE] =	sst s0  }
0x9: {  	[smem:$0x3FAF] =	sst s1  }
0xa: {  	[smem:$0x3FB0] =	sst s2  }
0xb: {  	[smem:$0x3FB1] =	sst s3  }
0xc: {  	[smem:$0x3FB2] =	sst s4  }
0xd: {  	[smem:$0x3FB3] =	sst s5  }
0xe: {  	[smem:$0x3FB4] =	sst s6  }
0xf: {  	[smem:$0x3FB5] =	sst s7  }
0x10: {  	[smem:$0x3FB6] =	sst s8  }
0x11: {  	[smem:$0x3FB7] =	sst s9;
	s0 =	simm.s32 @!p0 $0x0  }
0x12: {  	s1 =	sld [smem:$0x3F9D];
	s0 =	simm.s32 @p0 $0x1  }
0x13: {  	[smem:$0x3FB8] =	sst s0;
	s0 =	simm.s32 @!p1 $0x0  }
0x14: {  	s2 =	sld [smem:$0x3F9C];
	s0 =	simm.s32 @p1 $0x1  }
0x15: {  	[smem:$0x3FB9] =	sst s0;
	s0 =	simm.s32 @!p2 $0x0  }
0x16: {  	s3 =	sld [smem:$0x3FDB];
	s0 =	simm.s32 @p2 $0x1  }
0x17: {  	s4 =	simm.s32 $0x1BF5;
	[smem:$0x3FBB] =	sst s0  }
0x18: {  	s0 =	sld [smem:$0x3F9E];
	_ =	swait.ge [sflag:s4], $0x0  }
0x19: {  	s7 =	sld [smem:$0x3F9F]  }
0x1a: {  	s8 =	sadd.s32 $0xFFFFE003, lr  }
0x1b: {  	s9 =	sadd.s32 $0xFFFFFEF7, lr;
	s5 =	simm.s32 $0xFFFFFFFF;
	p2 =	slt.u32 s8, $0xFFFFF086  }
0x1c: {  	p1 =	slt.u32 s9, $0xF7A;
	s5 =	simm.s32 @!p2 $0x0  }
0x1d: {  	s5 =	simm.s32 @p1 $0x1;
	p0 =	seq.s32 s7, s2  }
0x1e: {  	s7 =	smul.u32 @!p0 $0xF7A, s2;
	p2 =	seq.s32 @!p0 s5, $0x0  }
0x1f: {  	s9 =	smul.u32 $0xF7A, s1;
	s8 =	simm.s32 @!p0 $0x1BF5;
	p2 =	por !p2, p0  }
0x20: {  	[sflag:s8] =	ssyncset.s32 @!p0 $0xFFFFF086;
	s6 =	sadd.s32 @!p0 s3, s7;
	s7 =	simm.s32 @!p0 $0x108  }
0x21: {  	s3 =	sadd.s32 s3, s9;
	s6 =	sadd.s32 @!p0 $0x88, s6;
	s7 =	simm.s32 @p2 $0x1082  }
0x22: {  	[simem:s7], [sflag:s8] =	dma.local @!p0 [hbm:s6], $0xF7A  }
0x23: {  	s9 =	sor.u32 $0xD0000000, s2;
	s6 =	simm.s32 $0x108;
	_ =	swait.ge @!p0 [sflag:s8], $0x0  }
0x24: {  	s3 =	sadd.s32 $0x88, s3;
	s6 =	simm.s32 @!p1 $0x1082;
	[sflag:s4] =	ssyncset.s32 $0xFFFFF086  }
0x25: {  	[simem:s6], [sflag:s4] =	dma.local [hbm:s3], $0xF7A  }
0x26: {  	[smem:$0x3F9F] =	sst s1;
	(tag) =	ssettag s2;
	_ =	strace s9  }
0x27: {  	s1 =	sld [smem:$0x3FAF]  }
0x28: {  	s2 =	sld [smem:$0x3FB0]  }
0x29: {  	s4 =	sld [smem:$0x3FB2]  }
0x2a: {  	p0 =	seq.s32 s5, $0x0;
	s5 =	sld [smem:$0x3FB3]  }
0x2b: {  	s6 =	sld [smem:$0x3FB4]  }
0x2c: {  	s7 =	sld [smem:$0x3FB5]  }
0x2d: {  	s3 =	simm.s32 $0x108;
	s8 =	sld [smem:$0x3FB6]  }
0x2e: {  	s3 =	simm.s32 @!p0 $0x1082;
	s9 =	sld [smem:$0x3FB7]  }
0x2f: {  	lr =	sadd.s32 s0, s3;
	s0 =	sld [smem:$0x3FAE]  }
0x30: {  	s3 =	sld [smem:$0x3FB1]  }
0x31: {  	[smem:$0x3FBA] =	sst s10  }
0x32: {  	s10 =	sld [smem:$0x3FB8];
	_ =	sdelay $0x3  }
0x33: {  	p0 =	seq.s32 s10, $0x1;
	s10 =	sld [smem:$0x3FBA];
	_ =	sdelay $0x3  }
0x34: {  	[smem:$0x3FBA] =	sst s10  }
0x35: {  	s10 =	sld [smem:$0x3FB9];
	_ =	sdelay $0x3  }
0x36: {  	p1 =	seq.s32 s10, $0x1;
	s10 =	sld [smem:$0x3FBA];
	_ =	sdelay $0x3  }
0x37: {  	[smem:$0x3FBA] =	sst s10  }
0x38: {  	s10 =	sld [smem:$0x3FBB]  }
0x39: {  	_ = 	snop;
	(pc) =	sbr.ind lr, $3  }
0x3a: {  	_ = 	snop  }
0x3b: {  	_ = 	snop  }
0x3c: {  	p2 =	seq.s32 s10, $0x1;
	s10 =	sld [smem:$0x3FBA]  }
0x3d: {  	_ =	shalt  }
0x3e: {  	_ =	shalt  }
0x3f: {  	_ =	shalt  }
0x40: {  	_ =	shalt  }
0x41: {  	_ =	shalt  }
0x42: {  	_ =	shalt  }
0x43: {  	_ =	shalt  }
0x44: {  	_ =	shalt  }
0x45: {  	_ =	shalt  }
0x46: {  	_ =	shalt  }
0x47: {  	_ =	shalt  }
0x48: {  	_ =	shalt  }
0x49: {  	_ =	shalt  }
0x4a: {  	_ =	shalt  }
0x4b: {  	_ =	shalt  }
0x4c: {  	_ =	shalt  }
0x4d: {  	_ =	shalt  }
0x4e: {  	_ =	shalt  }
0x4f: {  	_ =	shalt  }
0x50: {  	_ =	shalt  }
0x51: {  	_ =	shalt  }
0x52: {  	_ =	shalt  }
0x53: {  	_ =	shalt  }
0x54: {  	_ =	shalt  }
0x55: {  	_ =	shalt  }
0x56: {  	_ =	shalt  }
0x57: {  	_ =	shalt  }
0x58: {  	_ =	shalt  }
0x59: {  	_ =	shalt  }
0x5a: {  	_ =	shalt  }
0x5b: {  	_ =	shalt  }
0x5c: {  	_ =	shalt  }
0x5d: {  	_ =	shalt  }
0x5e: {  	_ =	shalt  }
0x5f: {  	_ =	shalt  }
0x60: {  	_ =	shalt  }
0x61: {  	_ =	shalt  }
0x62: {  	_ =	shalt  }
0x63: {  	_ =	shalt  }
0x64: {  	_ =	shalt  }
0x65: {  	_ =	shalt  }
0x66: {  	_ =	shalt  }
0x67: {  	_ =	shalt  }
0x68: {  	_ =	shalt  }
0x69: {  	_ =	shalt  }
0x6a: {  	_ =	shalt  }
0x6b: {  	_ =	shalt  }
0x6c: {  	_ =	shalt  }
0x6d: {  	_ =	shalt  }
0x6e: {  	_ =	shalt  }
0x6f: {  	_ =	shalt  }
0x70: {  	_ =	shalt  }
0x71: {  	_ =	shalt  }
0x72: {  	_ =	shalt  }
0x73: {  	_ =	shalt  }
0x74: {  	_ =	shalt  }
0x75: {  	_ =	shalt  }
0x76: {  	_ =	shalt  }
0x77: {  	_ =	shalt  }
0x78: {  	_ =	shalt  }
0x79: {  	_ =	shalt  }
0x7a: {  	_ =	shalt  }
0x7b: {  	_ =	shalt  }
0x7c: {  	_ =	shalt  }
0x7d: {  	_ =	shalt  }
0x7e: {  	_ =	shalt  }
0x7f: {  	_ =	shalt  }
0x80: {  	_ =	shalt  }
0x81: {  	_ =	shalt  }
0x82: {  	_ =	shalt  }
0x83: {  	_ =	shalt  }
0x84: {  	_ =	shalt  }
0x85: {  	_ =	shalt  }
0x86: {  	_ =	shalt  }
0x87: {  	_ =	shalt  }
.Lfunc_end0:
.L_simem_size_0:
called_computation_lowered:
.L_overlay_start_0:
0x88: {  	s2 =	sld [smem:$0x3FD9]  }
0x89: {  	s3 =	sld [smem:$0x3FFE];
	_ =	sdelay $0x1  }
0x8a: {  	s1 =	srdreg.scid  }
0x8b: {  	s0 =	sand.u32 $0x1, s1  }
0x8c: {  	s18 =	sshll.u32 s0, $0xA;
	s2 =	sadd.s32 s3, s2  }
0x8d: {  	s2 =	sadd.s32 s2, s18  }
0x8e: {  	[smem:$0x3FC6] =	sst s2  }
0x8f: {  	_ = 	snop  }
0x90: {  	s2 =	sld [smem:$0x3FC9]  }
0x91: {  	s19 =	sld [smem:$0x3FC8]  }
0x92: {  	s4 =	sld [smem:$0x3FD0];
	(tm) =	ssettm $0x1  }
0x93: {  	s5 =	sld [smem:$0x3FFB];
	_ =	sdelay $0x3  }
0x94: {  	_ =	strace s5  }
0x95: {  	s5 =	sld [smem:$0x3FFC];
	_ =	sdelay $0x3  }
0x96: {  	_ =	strace s5  }
0x97: {  	s5 =	sld [smem:$0x3FFD];
	_ =	sdelay $0x3  }
0x98: {  	_ =	strace s5  }
0x99: {  	_ =	strace $0x8FFFFFFF  }
0x9a: {  	s20 =	sld [smem:$0x3FDB];
	_ =	sdelay $0x1  }
0x9b: {  	s6 =	simm.s32 $_scs_section_size  }
0x9c: {  	s7 =	simm.s32 $_size__tile_overlayer_lowered;
	s8 =	simm.s32 $_tile_overlayer_lowered  }
0x9d: {  	s23 =	simm.s32 $0x1BFF;
	s22 =	sshll.u32 s8, $0x1;
	s5 =	sadd.s32 s6, s20  }
0x9e: {  	s9 =	simm.s32 $0x0;
	s21 =	sshll.u32 s7, $0x1;
	s7 =	sadd.s32 s22, s5  }
0x9f: {  	[timem:s9], [sflag:s23] =	dma.local [hbm:s7], s21  }
0xa0: {  	_ =	swait.ge [sflag:s23], s21  }
0xa1: {  	s6 =	ssub.s32 $0x0, s21;
	[sflag:s23] =	ssyncset.done $0x0  }
0xa2: {  	[sflag:s23] =	ssyncadd.s32 s6;
	_ =	sdelay $0x1  }
0xa3: {  	s24 =	simm.s32 $0x1B8B  }
0xa4: {  	_ =	swait.ge [sflag:s24], $0x1  }
0xa5: {  	[sflag:s24] =	ssyncset.done $0x0  }
0xa6: {  	s25 =	simm.s32 $0x1B8E;
	[sflag:s24] =	ssyncadd.s32 $0xFFFFFFFF  }
0xa7: {  	s26 =	simm.s32 $execute0_lowered;
	[smem:$0x3FD2] =	sst s25  }
0xa8: {  	s6 =	sshll.u32 s26, $0x1;
	_ =	strace $0x80000046;
	[dreg:$0x1] =	wrdreg $0xFFFFFFFF  }
0xa9: {  	s28 =	simm.s32 $_size_execute0_lowered;
	s5 =	sadd.s32 s5, s6;
	[dreg:$0x0] =	wrdreg $0x0  }
0xaa: {  	s6 =	sshll.u32 s28, $0x1;
	[dreg:$0x2] =	wrdreg s5  }
0xab: {  	[dreg:$0x3] =	wrdreg s6  }
0xac: {  	[dreg:$0x4] =	wrdreg $0xC0  }
0xad: {  	_ =	task [dreg:s9], $0x5FFFF  }
0xae: {  	[dreg:$0x1] =	wrdreg $0xFFFFFFFF  }
0xaf: {  	[dreg:$0x0] =	wrdreg $0x60  }
0xb0: {  	[dreg:$0x2] =	wrdreg s2  }
0xb1: {  	[dreg:$0x3] =	wrdreg s19  }
0xb2: {  	[dreg:$0x4] =	wrdreg s4  }
0xb3: {  	[dreg:$0x5] =	wrdreg $0x9  }
0xb4: {  	_ =	task.clear_ibuf [dreg:s9], $0x6FFFF;
	_ =	strace $0x90000046  }
0xb5: {  	s29 =	simm.s32 $0x9;
	_ =	strace $0x80000048  }
0xb6: {  	_ =	swait.ge [sflag:s29], $0x1  }
0xb7: {  	[sflag:s29] =	ssyncadd.s32 $0xFFFFFFFF  }
0xb8: {  	_ =	strace $0x90000048  }
0xb9: {  	_ =	sfence  }
0xba: {  	s30 =	sld [smem:$0x0];
	_ =	sdelay $0x2  }
0xbb: {  	s31 =	sshll.u32 s1, $0xD;
	s1 =	sshrl.u32 s1, $0x2  }
0xbc: {  	s3 =	sand.u32 $0x4000, s31;
	s1 =	sadd.s32 s1, s30  }
0xbd: {  	s0 =	sor.u32 s3, s0;
	s1 =	sshll.u32 s1, $0x11  }
0xbe: {  	s0 =	sor.u32 s1, s0  }
0xbf: {  	s0 =	sadd.s32 $0x8F2B, s0  }
0xc0: {  	[sflag:s0] =	ssyncadd.remote.s32 $0x1  }
0xc1: {  	_ =	sfence.sel $0xFFFF  }
0xc2: {  	[dreg:$0x0] =	wrdreg $0xFFFFFFFF;
	(pc) =	sbr.abs _section_cstart, $3  }
0xc3: {  	[dreg:$0x1] =	wrdreg $0xFFFFFFFF  }
0xc4: {  	_ =	task.clear_ibuf [dreg:s9], $0x2FFFF;
	_ =	strace $0x9FFFFFFF  }
0xc5: {  	(tm) =	ssettm $0x7FFFFFFF  }
tec
execute0_lowered:
.L_overlay_start_1:
0x0: {  	(tag) =	ssettag $0x1  }
0x1: {  	s1 =	rddreg [dreg:$0x0]  }
0x2: {  	s4 =	rddreg [dreg:$0x1]  }
0x3: {  	s5 =	rddreg [dreg:$0x2]  }
0x4: {  	s0 =	rddreg [dreg:$0x3];
	s6 =	srdreg.scid  }
0x5: {  	s3 =	simm.s32 $0x0;
	s2 =	stileid.u32;
	s11 =	simm.s32 $0x40  }
0x6: {  	s12 =	simm.s32 $0x100;
	s13 =	simm.s32 $0x2100;
	s14 =	simm.s32 $0x80  }
0x7: {  	s15 =	simm.s32 $0x4100;
	s16 =	simm.s32 $0xC0;
	s17 =	simm.s32 $0x6100  }
0x8: {  	s18 =	simm.s32 $0x1;
	s19 =	simm.s32 $0x2;
	s20 =	simm.s32 $0x3  }
0x9: {  	s21 =	simm.s32 $0x4;
	s22 =	simm.s32 $0x5;
	s6 =	sand.u32 $0x1, s6  }
0xa: {  	s23 =	simm.s32 $0x0;
	s7 =	sshll.u32 s2, $0x9;
	s8 =	sshll.u32 s6, $0x8  }
0xb: {  	[smem:$0x7FF] =	sst s3;
	s6 =	ssub.s32 $0x2, s6;
	s7 =	sor.u32 s8, s7  }
0xc: {  	_ =	strace $0x80000047;
	s31 =	sshrl.u32 s6, $0x1;
	s9 =	sshrl.u32 s7, $0x3  }
0xd: {  	s7 =	sshll.u32 s7, $0x4;
	s10 =	ssub.s32 s6, s31;
	s4 =	sadd.s32 s4, s9  }
0xe: {  	s5 =	sadd.s32 s5, s7;
	s9 =	smax.u32 s10, $0x1;
	s10 =	simm.s32 $0x6  }
0xf: {  	s6 =	sadd.s32 $0x400, s5;
	s7 =	sadd.s32 $0x800, s5;
	s8 =	sadd.s32 $0xC00, s5  }
.LBB2_1:
0x10: {  	[tilespmem:s3], [sflag:$0x6] =	stream.linear.gather [hbm4b:s4+s3], $0x100, $0x38;
	[tilespmem:$0x8100] =	vst v63  }
0x11: {  	_ =	swait.ge [sflag:s10], $0x100  }
0x12: {  	[sflag:s10] =	ssyncset.done $0x0  }
0x13: {  	[sflag:s10] =	ssyncadd.s32 $0xFFFFFF00  }
0x14: {  	[tilespmem:s12], [sflag:$0x1] =	stream.indirect.gather [hbm4b:s1+s11], $0x80, s3, s11, $0xb8;
	[tilespmem:$0x8100] =	vst v63  }
0x15: {  	_ = 	snop  }
0x16: {  	[tilespmem:s13], [sflag:$0x2] =	stream.indirect.gather [hbm4b:s1+s11], $0x80, s11, s11, $0xb8;
	[tilespmem:$0x8100] =	vst v63  }
0x17: {  	_ = 	snop  }
0x18: {  	[tilespmem:s15], [sflag:$0x3] =	stream.indirect.gather [hbm4b:s1+s11], $0x80, s14, s11, $0xb8;
	[tilespmem:$0x8100] =	vst v63  }
0x19: {  	_ = 	snop  }
0x1a: {  	[tilespmem:s17], [sflag:$0x4] =	stream.indirect.gather [hbm4b:s1+s11], $0x80, s16, s11, $0xb8;
	[tilespmem:$0x8100] =	vst v63  }
0x1b: {  	_ =	swait.ge [sflag:s18], $0x2000  }
0x1c: {  	[sflag:s18] =	ssyncset.done $0x0  }
0x1d: {  	s24 =	simm.s32 $0x0;
	[sflag:s18] =	ssyncadd.s32 $0xFFFFE000  }
0x1e: {  	v1 =	vld [tilespmem:s24+$0x170]  }
0x1f: {  	v4 =	vld [tilespmem:s24+$0x100]  }
0x20: {  	v5 =	vld [tilespmem:s24+$0x110]  }
0x21: {  	v3 =	vld [tilespmem:s24+$0x120]  }
0x22: {  	v2 =	vld [tilespmem:s24+$0x130]  }
0x23: {  	v0 =	vld [tilespmem:s24+$0x140];
	v6 =	vmax.f32 v1, $0.0e+00  }
0x24: {  	v1 =	vld [tilespmem:s24+$0x150];
	v4 =	vmax.f32 v4, $0.0e+00;
	[tilespmem:s24+$0x170] =	vst v6  }
0x25: {  	s25 =	simm.s32 $0x80;
	s26 =	simm.s32 $0x400;
	v5 =	vmax.f32 v5, $0.0e+00;
	[tilespmem:s24+$0x100] =	vst v4;
	v4 =	vld [tilespmem:s24+$0x160]  }
.LBB2_2:
0x26: {  	p0 =	sne.s32 s26, $0x7E00;
	v6 =	vld [tilespmem:s25+$0x170];
	[tilespmem:s24+$0x110] =	vst v5;
	v3 =	vmax.f32 v3, $0.0e+00  }
0x27: {  	v5 =	vld [tilespmem:s25+$0x100];
	[tilespmem:s24+$0x120] =	vst v3;
	v2 =	vmax.f32 v2, $0.0e+00  }
0x28: {  	v7 =	vld [tilespmem:s25+$0x110];
	[tilespmem:s24+$0x130] =	vst v2;
	v0 =	vmax.f32 v0, $0.0e+00  }
.Ltmp0:
0x29: {  	v3 =	vld [tilespmem:s25+$0x120];
	[tilespmem:s24+$0x140] =	vst v0;
	v0 =	vmax.f32 v1, $0.0e+00;
	(pc) =	sbr.rel @p0 .LBB2_2-.Ltmp0, $4  }
0x2a: {  	v2 =	vld [tilespmem:s25+$0x130];
	[tilespmem:s24+$0x150] =	vst v0;
	v1 =	vmax.f32 v4, $0.0e+00  }
0x2b: {  	v0 =	vld [tilespmem:s25+$0x140];
	v4 =	vmax.f32 v6, $0.0e+00;
	[tilespmem:s24+$0x160] =	vst v1;
	s24 =	smov.u32 s25  }
0x2c: {  	v5 =	vmax.f32 v5, $0.0e+00;
	v1 =	vld [tilespmem:s24+$0x150];
	[tilespmem:s24+$0x170] =	vst v4  }
0x2d: {  	s25 =	sshra.s32 s26, $0x2;
	s26 =	sadd.s32 $0x200, s26;
	[tilespmem:s24+$0x100] =	vst v5;
	v5 =	vmax.f32 v7, $0.0e+00;
	v4 =	vld [tilespmem:s24+$0x160]  }
0x2e: {  	v6 =	vld [tilespmem:s25+$0x170];
	[tilespmem:s24+$0x110] =	vst v5;
	v3 =	vmax.f32 v3, $0.0e+00  }
0x2f: {  	v7 =	vld [tilespmem:s25+$0x100];
	[tilespmem:s24+$0x120] =	vst v3;
	v2 =	vmax.f32 v2, $0.0e+00  }
0x30: {  	v5 =	vld [tilespmem:s25+$0x110];
	[tilespmem:s24+$0x130] =	vst v2;
	v0 =	vmax.f32 v0, $0.0e+00  }
0x31: {  	v3 =	vld [tilespmem:s25+$0x120];
	[tilespmem:s24+$0x140] =	vst v0;
	v0 =	vmax.f32 v1, $0.0e+00  }
0x32: {  	v2 =	vld [tilespmem:s25+$0x130];
	[tilespmem:s24+$0x150] =	vst v0;
	v4 =	vmax.f32 v4, $0.0e+00  }
0x33: {  	v1 =	vld [tilespmem:s25+$0x140];
	v0 =	vmax.f32 v6, $0.0e+00;
	[tilespmem:s24+$0x160] =	vst v4  }
0x34: {  	v6 =	vld [tilespmem:s25+$0x150];
	[tilespmem:s25+$0x170] =	vst v0;
	v0 =	vmax.f32 v7, $0.0e+00  }
0x35: {  	v4 =	vld [tilespmem:s25+$0x160];
	[tilespmem:s25+$0x100] =	vst v0;
	v0 =	vmax.f32 v5, $0.0e+00  }
0x36: {  	[tilespmem:s25+$0x110] =	vst v0;
	v0 =	vmax.f32 v3, $0.0e+00  }
0x37: {  	[tilespmem:s25+$0x120] =	vst v0;
	v0 =	vmax.f32 v2, $0.0e+00  }
0x38: {  	[tilespmem:s25+$0x130] =	vst v0;
	v0 =	vmax.f32 v1, $0.0e+00  }
0x39: {  	[tilespmem:s25+$0x140] =	vst v0;
	v0 =	vmax.f32 v6, $0.0e+00  }
0x3a: {  	[tilespmem:s25+$0x150] =	vst v0;
	v0 =	vmax.f32 v4, $0.0e+00  }
0x3b: {  	s31 =	simm.s32 $0x0;
	[tilespmem:s25+$0x160] =	vst v0  }
0x3c: {  	[hbm4b:s5+s31] =	stream.linear.scatter [tilespmem:s12], [sflag:$0x5], $0x2000, $0x38;
	[tilespmem:$0x8100] =	vst v63  }
0x3d: {  	_ =	swait.ge [sflag:s19], $0x2000  }
0x3e: {  	[sflag:s19] =	ssyncset.done $0x0  }
0x3f: {  	s24 =	simm.s32 $0x0;
	[sflag:s19] =	ssyncadd.s32 $0xFFFFE000  }
0x40: {  	v1 =	vld [tilespmem:s24+$0x2170]  }
0x41: {  	v4 =	vld [tilespmem:s24+$0x2100]  }
0x42: {  	v5 =	vld [tilespmem:s24+$0x2110]  }
0x43: {  	v3 =	vld [tilespmem:s24+$0x2120]  }
0x44: {  	v2 =	vld [tilespmem:s24+$0x2130]  }
0x45: {  	v0 =	vld [tilespmem:s24+$0x2140];
	v6 =	vmax.f32 v1, $0.0e+00  }
0x46: {  	v1 =	vld [tilespmem:s24+$0x2150];
	v4 =	vmax.f32 v4, $0.0e+00;
	[tilespmem:s24+$0x2170] =	vst v6  }
0x47: {  	s26 =	simm.s32 $0x400;
	s25 =	simm.s32 $0x80;
	v5 =	vmax.f32 v5, $0.0e+00;
	[tilespmem:s24+$0x2100] =	vst v4;
	v4 =	vld [tilespmem:s24+$0x2160]  }
.LBB2_4:
0x48: {  	p0 =	sne.s32 s26, $0x7E00;
	v6 =	vld [tilespmem:s25+$0x2170];
	[tilespmem:s24+$0x2110] =	vst v5;
	v3 =	vmax.f32 v3, $0.0e+00  }
0x49: {  	v5 =	vld [tilespmem:s25+$0x2100];
	[tilespmem:s24+$0x2120] =	vst v3;
	v2 =	vmax.f32 v2, $0.0e+00  }
0x4a: {  	v7 =	vld [tilespmem:s25+$0x2110];
	[tilespmem:s24+$0x2130] =	vst v2;
	v0 =	vmax.f32 v0, $0.0e+00  }
.Ltmp1:
0x4b: {  	v3 =	vld [tilespmem:s25+$0x2120];
	[tilespmem:s24+$0x2140] =	vst v0;
	v0 =	vmax.f32 v1, $0.0e+00;
	(pc) =	sbr.rel @p0 .LBB2_4-.Ltmp1, $4  }
0x4c: {  	v2 =	vld [tilespmem:s25+$0x2130];
	[tilespmem:s24+$0x2150] =	vst v0;
	v1 =	vmax.f32 v4, $0.0e+00  }
0x4d: {  	v0 =	vld [tilespmem:s25+$0x2140];
	v4 =	vmax.f32 v6, $0.0e+00;
	[tilespmem:s24+$0x2160] =	vst v1;
	s24 =	smov.u32 s25  }
0x4e: {  	v5 =	vmax.f32 v5, $0.0e+00;
	v1 =	vld [tilespmem:s24+$0x2150];
	[tilespmem:s24+$0x2170] =	vst v4  }
0x4f: {  	s25 =	sshra.s32 s26, $0x2;
	s26 =	sadd.s32 $0x200, s26;
	[tilespmem:s24+$0x2100] =	vst v5;
	v5 =	vmax.f32 v7, $0.0e+00;
	v4 =	vld [tilespmem:s24+$0x2160]  }
0x50: {  	v6 =	vld [tilespmem:s25+$0x2170];
	[tilespmem:s24+$0x2110] =	vst v5;
	v3 =	vmax.f32 v3, $0.0e+00  }
0x51: {  	v7 =	vld [tilespmem:s25+$0x2100];
	[tilespmem:s24+$0x2120] =	vst v3;
	v2 =	vmax.f32 v2, $0.0e+00  }
0x52: {  	v5 =	vld [tilespmem:s25+$0x2110];
	[tilespmem:s24+$0x2130] =	vst v2;
	v0 =	vmax.f32 v0, $0.0e+00  }
0x53: {  	v3 =	vld [tilespmem:s25+$0x2120];
	[tilespmem:s24+$0x2140] =	vst v0;
	v0 =	vmax.f32 v1, $0.0e+00  }
0x54: {  	v2 =	vld [tilespmem:s25+$0x2130];
	[tilespmem:s24+$0x2150] =	vst v0;
	v4 =	vmax.f32 v4, $0.0e+00  }
0x55: {  	v1 =	vld [tilespmem:s25+$0x2140];
	v0 =	vmax.f32 v6, $0.0e+00;
	[tilespmem:s24+$0x2160] =	vst v4  }
0x56: {  	v6 =	vld [tilespmem:s25+$0x2150];
	[tilespmem:s25+$0x2170] =	vst v0;
	v0 =	vmax.f32 v7, $0.0e+00  }
0x57: {  	v4 =	vld [tilespmem:s25+$0x2160];
	[tilespmem:s25+$0x2100] =	vst v0;
	v0 =	vmax.f32 v5, $0.0e+00  }
0x58: {  	[tilespmem:s25+$0x2110] =	vst v0;
	v0 =	vmax.f32 v3, $0.0e+00  }
0x59: {  	[tilespmem:s25+$0x2120] =	vst v0;
	v0 =	vmax.f32 v2, $0.0e+00  }
0x5a: {  	[tilespmem:s25+$0x2130] =	vst v0;
	v0 =	vmax.f32 v1, $0.0e+00  }
0x5b: {  	[tilespmem:s25+$0x2140] =	vst v0;
	v0 =	vmax.f32 v6, $0.0e+00  }
0x5c: {  	[tilespmem:s25+$0x2150] =	vst v0;
	v0 =	vmax.f32 v4, $0.0e+00  }
0x5d: {  	s31 =	simm.s32 $0x0;
	[tilespmem:s25+$0x2160] =	vst v0  }
0x5e: {  	[hbm4b:s6+s31] =	stream.linear.scatter [tilespmem:s13], [sflag:$0x5], $0x2000, $0x38;
	[tilespmem:$0x8100] =	vst v63  }
0x5f: {  	_ =	swait.ge [sflag:s20], $0x2000  }
0x60: {  	[sflag:s20] =	ssyncset.done $0x0  }
0x61: {  	s24 =	simm.s32 $0x0;
	[sflag:s20] =	ssyncadd.s32 $0xFFFFE000  }
0x62: {  	v1 =	vld [tilespmem:s24+$0x4170]  }
0x63: {  	v4 =	vld [tilespmem:s24+$0x4100]  }
0x64: {  	v5 =	vld [tilespmem:s24+$0x4110]  }
0x65: {  	v3 =	vld [tilespmem:s24+$0x4120]  }
0x66: {  	v2 =	vld [tilespmem:s24+$0x4130]  }
0x67: {  	v0 =	vld [tilespmem:s24+$0x4140];
	v6 =	vmax.f32 v1, $0.0e+00  }
0x68: {  	v1 =	vld [tilespmem:s24+$0x4150];
	v4 =	vmax.f32 v4, $0.0e+00;
	[tilespmem:s24+$0x4170] =	vst v6  }
0x69: {  	s26 =	simm.s32 $0x400;
	s25 =	simm.s32 $0x80;
	v5 =	vmax.f32 v5, $0.0e+00;
	[tilespmem:s24+$0x4100] =	vst v4;
	v4 =	vld [tilespmem:s24+$0x4160]  }
.LBB2_6:
0x6a: {  	p0 =	sne.s32 s26, $0x7E00;
	v6 =	vld [tilespmem:s25+$0x4170];
	[tilespmem:s24+$0x4110] =	vst v5;
	v3 =	vmax.f32 v3, $0.0e+00  }
0x6b: {  	v5 =	vld [tilespmem:s25+$0x4100];
	[tilespmem:s24+$0x4120] =	vst v3;
	v2 =	vmax.f32 v2, $0.0e+00  }
0x6c: {  	v7 =	vld [tilespmem:s25+$0x4110];
	[tilespmem:s24+$0x4130] =	vst v2;
	v0 =	vmax.f32 v0, $0.0e+00  }
.Ltmp2:
0x6d: {  	v3 =	vld [tilespmem:s25+$0x4120];
	[tilespmem:s24+$0x4140] =	vst v0;
	v0 =	vmax.f32 v1, $0.0e+00;
	(pc) =	sbr.rel @p0 .LBB2_6-.Ltmp2, $4  }
0x6e: {  	v2 =	vld [tilespmem:s25+$0x4130];
	[tilespmem:s24+$0x4150] =	vst v0;
	v1 =	vmax.f32 v4, $0.0e+00  }
0x6f: {  	v0 =	vld [tilespmem:s25+$0x4140];
	v4 =	vmax.f32 v6, $0.0e+00;
	[tilespmem:s24+$0x4160] =	vst v1;
	s24 =	smov.u32 s25  }
0x70: {  	v5 =	vmax.f32 v5, $0.0e+00;
	v1 =	vld [tilespmem:s24+$0x4150];
	[tilespmem:s24+$0x4170] =	vst v4  }
0x71: {  	s25 =	sshra.s32 s26, $0x2;
	s26 =	sadd.s32 $0x200, s26;
	[tilespmem:s24+$0x4100] =	vst v5;
	v5 =	vmax.f32 v7, $0.0e+00;
	v4 =	vld [tilespmem:s24+$0x4160]  }
0x72: {  	v6 =	vld [tilespmem:s25+$0x4170];
	[tilespmem:s24+$0x4110] =	vst v5;
	v3 =	vmax.f32 v3, $0.0e+00  }
0x73: {  	v7 =	vld [tilespmem:s25+$0x4100];
	[tilespmem:s24+$0x4120] =	vst v3;
	v2 =	vmax.f32 v2, $0.0e+00  }
0x74: {  	v5 =	vld [tilespmem:s25+$0x4110];
	[tilespmem:s24+$0x4130] =	vst v2;
	v0 =	vmax.f32 v0, $0.0e+00  }
0x75: {  	v3 =	vld [tilespmem:s25+$0x4120];
	[tilespmem:s24+$0x4140] =	vst v0;
	v0 =	vmax.f32 v1, $0.0e+00  }
0x76: {  	v2 =	vld [tilespmem:s25+$0x4130];
	[tilespmem:s24+$0x4150] =	vst v0;
	v4 =	vmax.f32 v4, $0.0e+00  }
0x77: {  	v1 =	vld [tilespmem:s25+$0x4140];
	v0 =	vmax.f32 v6, $0.0e+00;
	[tilespmem:s24+$0x4160] =	vst v4  }
0x78: {  	v6 =	vld [tilespmem:s25+$0x4150];
	[tilespmem:s25+$0x4170] =	vst v0;
	v0 =	vmax.f32 v7, $0.0e+00  }
0x79: {  	v4 =	vld [tilespmem:s25+$0x4160];
	[tilespmem:s25+$0x4100] =	vst v0;
	v0 =	vmax.f32 v5, $0.0e+00  }
0x7a: {  	[tilespmem:s25+$0x4110] =	vst v0;
	v0 =	vmax.f32 v3, $0.0e+00  }
0x7b: {  	[tilespmem:s25+$0x4120] =	vst v0;
	v0 =	vmax.f32 v2, $0.0e+00  }
0x7c: {  	[tilespmem:s25+$0x4130] =	vst v0;
	v0 =	vmax.f32 v1, $0.0e+00  }
0x7d: {  	[tilespmem:s25+$0x4140] =	vst v0;
	v0 =	vmax.f32 v6, $0.0e+00  }
0x7e: {  	[tilespmem:s25+$0x4150] =	vst v0;
	v0 =	vmax.f32 v4, $0.0e+00  }
0x7f: {  	s31 =	simm.s32 $0x0;
	[tilespmem:s25+$0x4160] =	vst v0  }
0x80: {  	[hbm4b:s7+s31] =	stream.linear.scatter [tilespmem:s15], [sflag:$0x5], $0x2000, $0x38;
	[tilespmem:$0x8100] =	vst v63  }
0x81: {  	_ =	swait.ge [sflag:s21], $0x2000  }
0x82: {  	[sflag:s21] =	ssyncset.done $0x0  }
0x83: {  	s24 =	simm.s32 $0x0;
	[sflag:s21] =	ssyncadd.s32 $0xFFFFE000  }
0x84: {  	v1 =	vld [tilespmem:s24+$0x6170]  }
0x85: {  	v4 =	vld [tilespmem:s24+$0x6100]  }
0x86: {  	v5 =	vld [tilespmem:s24+$0x6110]  }
0x87: {  	v3 =	vld [tilespmem:s24+$0x6120]  }
0x88: {  	v2 =	vld [tilespmem:s24+$0x6130]  }
0x89: {  	v0 =	vld [tilespmem:s24+$0x6140];
	v6 =	vmax.f32 v1, $0.0e+00  }
0x8a: {  	v1 =	vld [tilespmem:s24+$0x6150];
	v4 =	vmax.f32 v4, $0.0e+00;
	[tilespmem:s24+$0x6170] =	vst v6  }
0x8b: {  	s26 =	simm.s32 $0x400;
	s25 =	simm.s32 $0x80;
	v5 =	vmax.f32 v5, $0.0e+00;
	[tilespmem:s24+$0x6100] =	vst v4;
	v4 =	vld [tilespmem:s24+$0x6160]  }
.LBB2_8:
0x8c: {  	p0 =	sne.s32 s26, $0x7E00;
	v6 =	vld [tilespmem:s25+$0x6170];
	[tilespmem:s24+$0x6110] =	vst v5;
	v3 =	vmax.f32 v3, $0.0e+00  }
0x8d: {  	v5 =	vld [tilespmem:s25+$0x6100];
	[tilespmem:s24+$0x6120] =	vst v3;
	v2 =	vmax.f32 v2, $0.0e+00  }
0x8e: {  	v7 =	vld [tilespmem:s25+$0x6110];
	[tilespmem:s24+$0x6130] =	vst v2;
	v0 =	vmax.f32 v0, $0.0e+00  }
.Ltmp3:
0x8f: {  	v3 =	vld [tilespmem:s25+$0x6120];
	[tilespmem:s24+$0x6140] =	vst v0;
	v0 =	vmax.f32 v1, $0.0e+00;
	(pc) =	sbr.rel @p0 .LBB2_8-.Ltmp3, $4  }
0x90: {  	v2 =	vld [tilespmem:s25+$0x6130];
	[tilespmem:s24+$0x6150] =	vst v0;
	v1 =	vmax.f32 v4, $0.0e+00  }
0x91: {  	v0 =	vld [tilespmem:s25+$0x6140];
	v4 =	vmax.f32 v6, $0.0e+00;
	[tilespmem:s24+$0x6160] =	vst v1;
	s24 =	smov.u32 s25  }
0x92: {  	v5 =	vmax.f32 v5, $0.0e+00;
	v1 =	vld [tilespmem:s24+$0x6150];
	[tilespmem:s24+$0x6170] =	vst v4  }
0x93: {  	s25 =	sshra.s32 s26, $0x2;
	s26 =	sadd.s32 $0x200, s26;
	[tilespmem:s24+$0x6100] =	vst v5;
	v5 =	vmax.f32 v7, $0.0e+00;
	v4 =	vld [tilespmem:s24+$0x6160]  }
0x94: {  	v6 =	vld [tilespmem:s25+$0x6170];
	[tilespmem:s24+$0x6110] =	vst v5;
	v3 =	vmax.f32 v3, $0.0e+00  }
0x95: {  	v7 =	vld [tilespmem:s25+$0x6100];
	[tilespmem:s24+$0x6120] =	vst v3;
	v2 =	vmax.f32 v2, $0.0e+00  }
0x96: {  	v49 =	vld [tilespmem:s25+$0x6110];
	[tilespmem:s24+$0x6130] =	vst v2;
	v0 =	vmax.f32 v0, $0.0e+00  }
0x97: {  	v50 =	vld [tilespmem:s25+$0x6120];
	[tilespmem:s24+$0x6140] =	vst v0;
	v52 =	vmax.f32 v1, $0.0e+00  }
0x98: {  	v51 =	vld [tilespmem:s25+$0x6130];
	[tilespmem:s24+$0x6150] =	vst v52;
	v4 =	vmax.f32 v4, $0.0e+00  }
0x99: {  	v53 =	vld [tilespmem:s25+$0x6140];
	v54 =	vmax.f32 v6, $0.0e+00;
	[tilespmem:s24+$0x6160] =	vst v4  }
0x9a: {  	v55 =	vld [tilespmem:s25+$0x6150];
	v56 =	vmax.f32 v7, $0.0e+00;
	[tilespmem:s25+$0x6170] =	vst v54  }
0x9b: {  	v58 =	vld [tilespmem:s25+$0x6160];
	v57 =	vmax.f32 v49, $0.0e+00;
	[tilespmem:s25+$0x6100] =	vst v56  }
0x9c: {  	v59 =	vmax.f32 v50, $0.0e+00;
	[tilespmem:s25+$0x6110] =	vst v57  }
0x9d: {  	v60 =	vmax.f32 v51, $0.0e+00;
	[tilespmem:s25+$0x6120] =	vst v59  }
0x9e: {  	v61 =	vmax.f32 v53, $0.0e+00;
	[tilespmem:s25+$0x6130] =	vst v60  }
0x9f: {  	s23 =	sadd.s32 $0x1, s23;
	v62 =	vmax.f32 v55, $0.0e+00;
	[tilespmem:s25+$0x6140] =	vst v61  }
0xa0: {  	p0 =	sne.s32 s23, s9;
	v63 =	vmax.f32 v58, $0.0e+00;
	[tilespmem:s25+$0x6150] =	vst v62  }
.Ltmp4:
0xa1: {  	[tilespmem:s25+$0x6160] =	vst v63;
	(pc) =	sbr.rel @p0 .LBB2_1-.Ltmp4, $4  }
0xa2: {  	[hbm4b:s8+s3] =	stream.linear.scatter [tilespmem:s17], [sflag:$0x5], $0x2000, $0x38;
	[tilespmem:$0x8100] =	vst v63  }
0xa3: {  	_ =	swait.ge [sflag:s22], $0x8000  }
0xa4: {  	[sflag:s22] =	ssyncset.done $0x0  }
0xa5: {  	[sflag:s22] =	ssyncadd.s32 $0xFFFF8000  }
0xa6: {  	_ =	sfence.sel $0x180000  }
0xa7: {  	[bflag:$0x0] =	sbarrier.arrive $0xFFFF  }
0xa8: {  	p0 =	sne.s32 s2, $0x0;
	_ =	strace $0x90000047  }
0xa9: {  	s0 =	sadd.s32 @!p0 $0x100000, s0;
	[bflag:$0x2] =	sbarrier.arrive $0xFFFF  }
0xaa: {  	[sflag:s0] =	ssyncadd.tile.s32 @!p0 $0x1;
	_ =	shalt  }
.Lfunc_end2:
_tile_overlayer_lowered:
.L_overlay_start_2:
0xab: {  	(tag) =	ssettag $0x2  }
0xac: {  	s0 =	rddreg [dreg:$0x0];
	s2 =	stileid.u32  }
0xad: {  	s1 =	rddreg [dreg:$0x1];
	p0 =	sne.s32 s2, $0x0  }
0xae: {  	s3 =	rddreg [dreg:$0x2];
	[bflag:$0x3] =	sbarrier.arrive $0xFFFF;
	s2 =	simm.s32 @!p0 $0x1C06  }
0xaf: {  	[timem:s3], [sflag:s2] =	dma.local @!p0 [hbm:s0], s1  }
0xb0: {  	s0 =	simm.s32 @!p0 $0x6  }
0xb1: {  	_ =	swait.ge @!p0 [sflag:s0], s1  }
0xb2: {  	s1 =	ssub.s32 @!p0 $0x0, s1;
	[sflag:s0] =	ssyncset.done @!p0 $0x0  }
0xb3: {  	[sflag:s0] =	ssyncadd.s32 @!p0 s1  }
0xb4: {  	[bflag:$0x3] =	sbarrier.arrive $0xFFFF  }
0xb5: {  	_ =	shalt  }

</sc_bundles>
